<compile_context>
chip_gen: v7x
topology: tpu7x:2x2x1
jax: 0.10.2.dev20260603
libtpu: 0.0.44.dev20260713+nightly
codegen_flags: <defaults>
</compile_context>

<pallas_src>
import functools

import jax
import jax.numpy as jnp
from jax import lax
from jax.experimental import pallas as pl
from jax.experimental.pallas import tpu as pltpu
from jax.experimental.pallas import tpu_sc as plsc

V = 1000000
D = 32
C = 16
B = 4096
L = 200

NC = 2
NS = 16
NW = NC * NS
BPW = B // NW
CH = 100
NCHUNK = BPW * (L // CH)
UNROLL = 10


def _sc_forward(x_resh, embed_weight, fc1_wt, fc1_bias):
    mesh = plsc.VectorSubcoreMesh(core_axis_name="c", subcore_axis_name="s")

    @functools.partial(
        pl.kernel,
        mesh=mesh,
        compiler_params=pltpu.CompilerParams(use_tc_tiling_on_sc=False),
        out_type=jax.ShapeDtypeStruct((B, C), jnp.float32),
        scratch_types=[
            pltpu.VMEM((NCHUNK, CH), jnp.int32),
            pltpu.VMEM((2, CH, D), jnp.float32),
            pltpu.VMEM((BPW, C), jnp.float32),
            pltpu.VMEM((D, C), jnp.float32),
            pltpu.VMEM((C,), jnp.float32),
            pltpu.SemaphoreType.DMA,
        ],
    )
    def body(x_hbm, emb_hbm, wt_hbm, bias_hbm, out_hbm,
             idx_v, rows_v, out_v, wt_v, bias_v, sem):
        wid = lax.axis_index("s") * NC + lax.axis_index("c")
        pltpu.sync_copy(x_hbm.at[wid], idx_v)
        pltpu.sync_copy(wt_hbm, wt_v)
        pltpu.sync_copy(bias_hbm, bias_v)

        def row_body(b, carry):
            cp0 = pltpu.async_copy(emb_hbm.at[idx_v.at[2 * b]], rows_v.at[0], sem)
            cp1 = pltpu.async_copy(emb_hbm.at[idx_v.at[2 * b + 1]], rows_v.at[1], sem)
            cp0.wait()
            cp1.wait()

            acc0 = rows_v[0, 0, 0:16]
            acc1 = rows_v[0, 0, 16:32]

            def red_body(i, accs):
                a0, a1 = accs
                for j in range(UNROLL):
                    l = i * UNROLL + j
                    a0 = jnp.maximum(a0, rows_v[0, l, 0:16])
                    a1 = jnp.maximum(a1, rows_v[0, l, 16:32])
                    a0 = jnp.maximum(a0, rows_v[1, l, 0:16])
                    a1 = jnp.maximum(a1, rows_v[1, l, 16:32])
                return a0, a1

            acc0, acc1 = lax.fori_loop(0, CH // UNROLL, red_body, (acc0, acc1))

            o = bias_v[0:16]
            for d in range(C):
                o = o + acc0[d] * wt_v[d, 0:16]
                o = o + acc1[d] * wt_v[C + d, 0:16]
            out_v[b, 0:16] = o
            return carry

        lax.fori_loop(0, BPW, row_body, 0)
        pltpu.sync_copy(out_v, out_hbm.at[pl.ds(wid * BPW, BPW)])

    return body(x_resh, embed_weight, fc1_wt, fc1_bias)


def kernel(x, embed_weight, fc1_weight, fc1_bias):
    x_resh = x.reshape(NW, NCHUNK, CH)
    fc1_wt = fc1_weight.T
    return _sc_forward(x_resh, embed_weight, fc1_wt, fc1_bias)

# --- scband reference (transcript-rebuilt; emitter-appended) ---
"""Pipeline reference for scband-cnn-text-62113817034912 (READ-ONLY COPY).

The authoritative reference and input builder live on the scoring server;
editing this copy changes nothing except your own understanding.
"""

import jax, jax.numpy as jnp
import numpy as np

V = 1000000
D = 32
C = 16
B = 4096
L = 200

def setup_inputs(seed: int = 0) -> dict:
    key = jax.random.key(seed)
    k1, k2, k3 = jax.random.split(key, 3)
    x = jax.random.randint(k1, (B, L), 0, V, dtype=jnp.int32)
    embed_weight = jax.random.normal(k2, (V, D), dtype=jnp.float32) * 0.02
    fc1_weight = jax.random.normal(k3, (C, D), dtype=jnp.float32) * (1.0 / np.sqrt(D))
    fc1_bias = jnp.zeros((C,), dtype=jnp.float32)
    return {"x": x, "embed_weight": embed_weight, "fc1_weight": fc1_weight, "fc1_bias": fc1_bias}

def reference(x, embed_weight, fc1_weight, fc1_bias):
    # x: int[B, L] token ids
    emb = jnp.take(embed_weight, x, axis=0)          # [B, L, D]  (nn.Embedding gather)
    # permute(0,2,1) -> [B, D, L]; max_pool1d over full length == max over seq dim
    pooled = jnp.max(emb, axis=1)                    # [B, D]
    out = pooled @ fc1_weight.T + fc1_bias           # [B, C]
    return out

if __name__ == "__main__":
    import jax
    _d = setup_inputs()
    print(jax.jit(kernel)(*tuple(_d.values())))

</pallas_src>

<mosaic_0001>
#map = affine_map<(d0, d1) -> (0, 0, 0)>
#map1 = affine_map<(d0, d1) -> (0, 0)>
#map2 = affine_map<(d0, d1) -> (0)>
module attributes {stable_mosaic.version = 14 : i64} {
  func.func @body(%arg0: i32, %arg1: i32, %arg2: memref<32x256x100xi32, #tpu.memory_space<hbm>>, %arg3: memref<1000000x32xf32, #tpu.memory_space<hbm>>, %arg4: memref<32x16xf32, #tpu.memory_space<hbm>>, %arg5: memref<16xf32, #tpu.memory_space<hbm>>, %arg6: memref<4096x16xf32, #tpu.memory_space<hbm>>, %arg7: memref<256x100xi32, #tpu.memory_space<vmem>>, %arg8: memref<2x100x32xf32, #tpu.memory_space<vmem>>, %arg9: memref<128x16xf32, #tpu.memory_space<vmem>>, %arg10: memref<32x16xf32, #tpu.memory_space<vmem>>, %arg11: memref<16xf32, #tpu.memory_space<vmem>>, %arg12: memref<!tpu.dma_semaphore, #tpu.memory_space<semaphore_mem>>) attributes {dimension_semantics = [#tpu.dimension_semantics<core_parallel>, #tpu.dimension_semantics<subcore_parallel>], iteration_bounds = array<i64: 2, 16>, scalar_prefetch = 0 : i64, scratch_operands = 6 : i64, tpu.core_type = #tpu.core_type<sc_vector_subcore>, window_params = [{transform_indices = #map}, {transform_indices = #map1}, {transform_indices = #map1}, {transform_indices = #map2}, {transform_indices = #map1}]} {
    %mul3A = arith.constant 2 : i32
    %mul3A_0 = arith.muli %arg1, %mul3A : i32
    %add3A = arith.addi %mul3A_0, %arg0 : i32
    "tpu.region"() ({
      %run_scoped3A = tpu.sem_alloc : memref<!tpu.dma_semaphore, #tpu.memory_space<semaphore_mem>>
      %dma_start3A = arith.constant 0 : i32
      %dma_start3A_8 = arith.constant 0 : i32
      %dma_start3A_9 = tpu.memref_slice %arg2[%add3A, %dma_start3A, %dma_start3A_8] : memref<32x256x100xi32, #tpu.memory_space<hbm>> -> memref<1x256x100xi32, #tpu.memory_space<hbm>>
      %dma_start3A_10 = tpu.memref_squeeze %dma_start3A_9 : memref<1x256x100xi32, #tpu.memory_space<hbm>> -> memref<256x100xi32, #tpu.memory_space<hbm>>
      %dma_start3A_11 = arith.constant 0 : i32
      %dma_start3A_12 = arith.constant 0 : i32
      %dma_start3A_13 = tpu.memref_slice %arg2[%add3A, %dma_start3A_11, %dma_start3A_12] : memref<32x256x100xi32, #tpu.memory_space<hbm>> -> memref<1x256x100xi32, #tpu.memory_space<hbm>>
      %dma_start3A_14 = tpu.memref_squeeze %dma_start3A_13 : memref<1x256x100xi32, #tpu.memory_space<hbm>> -> memref<256x100xi32, #tpu.memory_space<hbm>>
      tpu.enqueue_dma source(%dma_start3A_14 : memref<256x100xi32, #tpu.memory_space<hbm>>) target(%arg7 : memref<256x100xi32, #tpu.memory_space<vmem>>) target_semaphore(%run_scoped3A : memref<!tpu.dma_semaphore, #tpu.memory_space<semaphore_mem>>)
      %dma_wait3A = arith.constant 0 : i32
      %dma_wait3A_15 = arith.constant 0 : i32
      %dma_wait3A_16 = tpu.memref_slice %arg2[%add3A, %dma_wait3A, %dma_wait3A_15] : memref<32x256x100xi32, #tpu.memory_space<hbm>> -> memref<1x256x100xi32, #tpu.memory_space<hbm>>
      %dma_wait3A_17 = tpu.memref_squeeze %dma_wait3A_16 : memref<1x256x100xi32, #tpu.memory_space<hbm>> -> memref<256x100xi32, #tpu.memory_space<hbm>>
      %dma_wait3A_18 = arith.constant 0 : i32
      %dma_wait3A_19 = arith.constant 0 : i32
      %dma_wait3A_20 = tpu.memref_slice %arg2[%add3A, %dma_wait3A_18, %dma_wait3A_19] : memref<32x256x100xi32, #tpu.memory_space<hbm>> -> memref<1x256x100xi32, #tpu.memory_space<hbm>>
      %dma_wait3A_21 = tpu.memref_squeeze %dma_wait3A_20 : memref<1x256x100xi32, #tpu.memory_space<hbm>> -> memref<256x100xi32, #tpu.memory_space<hbm>>
      tpu.wait_dma2 semaphore(%run_scoped3A : memref<!tpu.dma_semaphore, #tpu.memory_space<semaphore_mem>>) src(%dma_wait3A_21 : memref<256x100xi32, #tpu.memory_space<hbm>>) dst(%arg7 : memref<256x100xi32, #tpu.memory_space<vmem>>)
      tpu.yield
    }) : () -> ()
    "tpu.region"() ({
      %run_scoped3A = tpu.sem_alloc : memref<!tpu.dma_semaphore, #tpu.memory_space<semaphore_mem>>
      tpu.enqueue_dma source(%arg4 : memref<32x16xf32, #tpu.memory_space<hbm>>) target(%arg10 : memref<32x16xf32, #tpu.memory_space<vmem>>) target_semaphore(%run_scoped3A : memref<!tpu.dma_semaphore, #tpu.memory_space<semaphore_mem>>)
      tpu.wait_dma2 semaphore(%run_scoped3A : memref<!tpu.dma_semaphore, #tpu.memory_space<semaphore_mem>>) src(%arg4 : memref<32x16xf32, #tpu.memory_space<hbm>>) dst(%arg10 : memref<32x16xf32, #tpu.memory_space<vmem>>)
      tpu.yield
    }) : () -> ()
    "tpu.region"() ({
      %run_scoped3A = tpu.sem_alloc : memref<!tpu.dma_semaphore, #tpu.memory_space<semaphore_mem>>
      tpu.enqueue_dma source(%arg5 : memref<16xf32, #tpu.memory_space<hbm>>) target(%arg11 : memref<16xf32, #tpu.memory_space<vmem>>) target_semaphore(%run_scoped3A : memref<!tpu.dma_semaphore, #tpu.memory_space<semaphore_mem>>)
      tpu.wait_dma2 semaphore(%run_scoped3A : memref<!tpu.dma_semaphore, #tpu.memory_space<semaphore_mem>>) src(%arg5 : memref<16xf32, #tpu.memory_space<hbm>>) dst(%arg11 : memref<16xf32, #tpu.memory_space<vmem>>)
      tpu.yield
    }) : () -> ()
    %scan3A = arith.constant 0 : i32
    %scan3A_1 = arith.constant 0 : i32
    %scan3A_2 = arith.constant 128 : i32
    %scan3A_3 = arith.addi %scan3A_1, %scan3A_2 : i32
    %scan3A_4 = arith.constant 1 : i32
    scf.for %scan3A_8 = %scan3A_1 to %scan3A_3 step %scan3A_4  : i32 {
      %mul3A_9 = arith.constant 2 : i32
      %mul3A_10 = arith.muli %mul3A_9, %scan3A_8 : i32
      %dma_start3A = arith.constant 0 : i32
      %dma_start3A_11 = arith.constant 0 : i32
      %dma_start3A_12 = arith.constant 0 : i32
      %dma_start3A_13 = tpu.memref_slice %arg8[%dma_start3A, %dma_start3A_11, %dma_start3A_12] : memref<2x100x32xf32, #tpu.memory_space<vmem>> -> memref<1x100x32xf32, #tpu.memory_space<vmem>>
      %dma_start3A_14 = tpu.memref_squeeze %dma_start3A_13 : memref<1x100x32xf32, #tpu.memory_space<vmem>> -> memref<100x32xf32, #tpu.memory_space<vmem>>
      %dma_start3A_15 = arith.constant 0 : i32
      %dma_start3A_16 = tpu.memref_slice %arg7[%mul3A_10, %dma_start3A_15] : memref<256x100xi32, #tpu.memory_space<vmem>> -> memref<1x100xi32, #tpu.memory_space<vmem>>
      %dma_start3A_17 = tpu.memref_squeeze %dma_start3A_16 : memref<1x100xi32, #tpu.memory_space<vmem>> -> memref<100xi32, #tpu.memory_space<vmem>>
      %dma_start3A_18 = arith.constant 0 : i32
      %dma_start3A_19 = arith.constant 0 : i32
      %dma_start3A_20 = tpu.memref_slice %arg3[%dma_start3A_18, %dma_start3A_19] : memref<1000000x32xf32, #tpu.memory_space<hbm>> -> memref<1000000x32xf32, #tpu.memory_space<hbm>>
      tpu.enqueue_indirect_dma source(%dma_start3A_20 : memref<1000000x32xf32, #tpu.memory_space<hbm>>) target(%dma_start3A_14 : memref<100x32xf32, #tpu.memory_space<vmem>>) offsets(%dma_start3A_17 : memref<100xi32, #tpu.memory_space<vmem>>) semaphore(%arg12 : memref<!tpu.dma_semaphore, #tpu.memory_space<semaphore_mem>>)
      %mul3A_21 = arith.constant 2 : i32
      %mul3A_22 = arith.muli %mul3A_21, %scan3A_8 : i32
      %add3A_23 = arith.constant 1 : i32
      %add3A_24 = arith.addi %mul3A_22, %add3A_23 : i32
      %dma_start3A_25 = arith.constant 1 : i32
      %dma_start3A_26 = arith.constant 0 : i32
      %dma_start3A_27 = arith.constant 0 : i32
      %dma_start3A_28 = tpu.memref_slice %arg8[%dma_start3A_25, %dma_start3A_26, %dma_start3A_27] : memref<2x100x32xf32, #tpu.memory_space<vmem>> -> memref<1x100x32xf32, #tpu.memory_space<vmem>>
      %dma_start3A_29 = tpu.memref_squeeze %dma_start3A_28 : memref<1x100x32xf32, #tpu.memory_space<vmem>> -> memref<100x32xf32, #tpu.memory_space<vmem>>
      %dma_start3A_30 = arith.constant 0 : i32
      %dma_start3A_31 = tpu.memref_slice %arg7[%add3A_24, %dma_start3A_30] : memref<256x100xi32, #tpu.memory_space<vmem>> -> memref<1x100xi32, #tpu.memory_space<vmem>>
      %dma_start3A_32 = tpu.memref_squeeze %dma_start3A_31 : memref<1x100xi32, #tpu.memory_space<vmem>> -> memref<100xi32, #tpu.memory_space<vmem>>
      %dma_start3A_33 = arith.constant 0 : i32
      %dma_start3A_34 = arith.constant 0 : i32
      %dma_start3A_35 = tpu.memref_slice %arg3[%dma_start3A_33, %dma_start3A_34] : memref<1000000x32xf32, #tpu.memory_space<hbm>> -> memref<1000000x32xf32, #tpu.memory_space<hbm>>
      tpu.enqueue_indirect_dma source(%dma_start3A_35 : memref<1000000x32xf32, #tpu.memory_space<hbm>>) target(%dma_start3A_29 : memref<100x32xf32, #tpu.memory_space<vmem>>) offsets(%dma_start3A_32 : memref<100xi32, #tpu.memory_space<vmem>>) semaphore(%arg12 : memref<!tpu.dma_semaphore, #tpu.memory_space<semaphore_mem>>)
      %dma_wait3A = arith.constant 0 : i32
      %dma_wait3A_36 = arith.constant 0 : i32
      %dma_wait3A_37 = arith.constant 0 : i32
      %dma_wait3A_38 = tpu.memref_slice %arg8[%dma_wait3A, %dma_wait3A_36, %dma_wait3A_37] : memref<2x100x32xf32, #tpu.memory_space<vmem>> -> memref<1x100x32xf32, #tpu.memory_space<vmem>>
      %dma_wait3A_39 = tpu.memref_squeeze %dma_wait3A_38 : memref<1x100x32xf32, #tpu.memory_space<vmem>> -> memref<100x32xf32, #tpu.memory_space<vmem>>
      %dma_wait3A_40 = arith.constant 0 : i32
      %dma_wait3A_41 = tpu.memref_slice %arg7[%mul3A_10, %dma_wait3A_40] : memref<256x100xi32, #tpu.memory_space<vmem>> -> memref<1x100xi32, #tpu.memory_space<vmem>>
      %dma_wait3A_42 = tpu.memref_squeeze %dma_wait3A_41 : memref<1x100xi32, #tpu.memory_space<vmem>> -> memref<100xi32, #tpu.memory_space<vmem>>
      %dma_wait3A_43 = arith.constant 0 : i32
      %dma_wait3A_44 = arith.constant 0 : i32
      %dma_wait3A_45 = tpu.memref_slice %arg3[%dma_wait3A_43, %dma_wait3A_44] : memref<1000000x32xf32, #tpu.memory_space<hbm>> -> memref<1000000x32xf32, #tpu.memory_space<hbm>>
      tpu.wait_indirect_dma semaphore(%arg12 : memref<!tpu.dma_semaphore, #tpu.memory_space<semaphore_mem>>) src(%dma_wait3A_45 : memref<1000000x32xf32, #tpu.memory_space<hbm>>) dst(%dma_wait3A_39 : memref<100x32xf32, #tpu.memory_space<vmem>>)
      %dma_wait3A_46 = arith.constant 1 : i32
      %dma_wait3A_47 = arith.constant 0 : i32
      %dma_wait3A_48 = arith.constant 0 : i32
      %dma_wait3A_49 = tpu.memref_slice %arg8[%dma_wait3A_46, %dma_wait3A_47, %dma_wait3A_48] : memref<2x100x32xf32, #tpu.memory_space<vmem>> -> memref<1x100x32xf32, #tpu.memory_space<vmem>>
      %dma_wait3A_50 = tpu.memref_squeeze %dma_wait3A_49 : memref<1x100x32xf32, #tpu.memory_space<vmem>> -> memref<100x32xf32, #tpu.memory_space<vmem>>
      %dma_wait3A_51 = arith.constant 0 : i32
      %dma_wait3A_52 = tpu.memref_slice %arg7[%add3A_24, %dma_wait3A_51] : memref<256x100xi32, #tpu.memory_space<vmem>> -> memref<1x100xi32, #tpu.memory_space<vmem>>
      %dma_wait3A_53 = tpu.memref_squeeze %dma_wait3A_52 : memref<1x100xi32, #tpu.memory_space<vmem>> -> memref<100xi32, #tpu.memory_space<vmem>>
      %dma_wait3A_54 = arith.constant 0 : i32
      %dma_wait3A_55 = arith.constant 0 : i32
      %dma_wait3A_56 = tpu.memref_slice %arg3[%dma_wait3A_54, %dma_wait3A_55] : memref<1000000x32xf32, #tpu.memory_space<hbm>> -> memref<1000000x32xf32, #tpu.memory_space<hbm>>
      tpu.wait_indirect_dma semaphore(%arg12 : memref<!tpu.dma_semaphore, #tpu.memory_space<semaphore_mem>>) src(%dma_wait3A_56 : memref<1000000x32xf32, #tpu.memory_space<hbm>>) dst(%dma_wait3A_50 : memref<100x32xf32, #tpu.memory_space<vmem>>)
      %get3A = arith.constant 0 : i32
      %get3A_57 = arith.constant 0 : i32
      %get3A_58 = arith.index_cast %get3A : i32 to index
      %get3A_59 = arith.index_cast %get3A_57 : i32 to index
      %get3A_60 = arith.constant 0 : index
      %get3A_61 = tpu.vector_load %arg8[%get3A_58, %get3A_59, %get3A_60] {strides = array<i32>} : memref<2x100x32xf32, #tpu.memory_space<vmem>>, vector<1x1x16xf32>,
      %get3A_62 = vector.shape_cast %get3A_61 : vector<1x1x16xf32> to vector<16xf32>
      %get3A_63 = arith.constant 0 : i32
      %get3A_64 = arith.constant 0 : i32
      %get3A_65 = arith.index_cast %get3A_63 : i32 to index
      %get3A_66 = arith.index_cast %get3A_64 : i32 to index
      %get3A_67 = arith.constant 16 : index
      %get3A_68 = tpu.vector_load %arg8[%get3A_65, %get3A_66, %get3A_67] {strides = array<i32>} : memref<2x100x32xf32, #tpu.memory_space<vmem>>, vector<1x1x16xf32>,
      %get3A_69 = vector.shape_cast %get3A_68 : vector<1x1x16xf32> to vector<16xf32>
      %scan3A_70 = arith.constant 0 : i32
      %scan3A_71 = arith.constant 10 : i32
      %scan3A_72 = arith.addi %scan3A_70, %scan3A_71 : i32
      %scan3A_73 = arith.constant 1 : i32
      %scan3A_74:2 = scf.for %scan3A_401 = %scan3A_70 to %scan3A_72 step %scan3A_73 iter_args(%scan3A_402 = %get3A_62, %scan3A_403 = %get3A_69) -> (vector<16xf32>, vector<16xf32>)  : i32 {
        %mul3A_404 = arith.constant 10 : i32
        %mul3A_405 = arith.muli %scan3A_401, %mul3A_404 : i32
        %add3A_406 = arith.constant 0 : i32
        %add3A_407 = arith.addi %mul3A_405, %add3A_406 : i32
        %get3A_408 = arith.constant 0 : i32
        %get3A_409 = arith.index_cast %get3A_408 : i32 to index
        %get3A_410 = arith.index_cast %add3A_407 : i32 to index
        %get3A_411 = arith.constant 0 : index
        %get3A_412 = tpu.vector_load %arg8[%get3A_409, %get3A_410, %get3A_411] {strides = array<i32>} : memref<2x100x32xf32, #tpu.memory_space<vmem>>, vector<1x1x16xf32>,
        %get3A_413 = vector.shape_cast %get3A_412 : vector<1x1x16xf32> to vector<16xf32>
        %max3A = arith.maximumf %scan3A_402, %get3A_413 : vector<16xf32>
        %get3A_414 = arith.constant 0 : i32
        %get3A_415 = arith.index_cast %get3A_414 : i32 to index
        %get3A_416 = arith.index_cast %add3A_407 : i32 to index
        %get3A_417 = arith.constant 16 : index
        %get3A_418 = tpu.vector_load %arg8[%get3A_415, %get3A_416, %get3A_417] {strides = array<i32>} : memref<2x100x32xf32, #tpu.memory_space<vmem>>, vector<1x1x16xf32>,
        %get3A_419 = vector.shape_cast %get3A_418 : vector<1x1x16xf32> to vector<16xf32>
        %max3A_420 = arith.maximumf %scan3A_403, %get3A_419 : vector<16xf32>
        %get3A_421 = arith.constant 1 : i32
        %get3A_422 = arith.index_cast %get3A_421 : i32 to index
        %get3A_423 = arith.index_cast %add3A_407 : i32 to index
        %get3A_424 = arith.constant 0 : index
        %get3A_425 = tpu.vector_load %arg8[%get3A_422, %get3A_423, %get3A_424] {strides = array<i32>} : memref<2x100x32xf32, #tpu.memory_space<vmem>>, vector<1x1x16xf32>,
        %get3A_426 = vector.shape_cast %get3A_425 : vector<1x1x16xf32> to vector<16xf32>
        %max3A_427 = arith.maximumf %max3A, %get3A_426 : vector<16xf32>
        %get3A_428 = arith.constant 1 : i32
        %get3A_429 = arith.index_cast %get3A_428 : i32 to index
        %get3A_430 = arith.index_cast %add3A_407 : i32 to index
        %get3A_431 = arith.constant 16 : index
        %get3A_432 = tpu.vector_load %arg8[%get3A_429, %get3A_430, %get3A_431] {strides = array<i32>} : memref<2x100x32xf32, #tpu.memory_space<vmem>>, vector<1x1x16xf32>,
        %get3A_433 = vector.shape_cast %get3A_432 : vector<1x1x16xf32> to vector<16xf32>
        %max3A_434 = arith.maximumf %max3A_420, %get3A_433 : vector<16xf32>
        %mul3A_435 = arith.constant 10 : i32
        %mul3A_436 = arith.muli %scan3A_401, %mul3A_435 : i32
        %add3A_437 = arith.constant 1 : i32
        %add3A_438 = arith.addi %mul3A_436, %add3A_437 : i32
        %get3A_439 = arith.constant 0 : i32
        %get3A_440 = arith.index_cast %get3A_439 : i32 to index
        %get3A_441 = arith.index_cast %add3A_438 : i32 to index
        %get3A_442 = arith.constant 0 : index
        %get3A_443 = tpu.vector_load %arg8[%get3A_440, %get3A_441, %get3A_442] {strides = array<i32>} : memref<2x100x32xf32, #tpu.memory_space<vmem>>, vector<1x1x16xf32>,
        %get3A_444 = vector.shape_cast %get3A_443 : vector<1x1x16xf32> to vector<16xf32>
        %max3A_445 = arith.maximumf %max3A_427, %get3A_444 : vector<16xf32>
        %get3A_446 = arith.constant 0 : i32
        %get3A_447 = arith.index_cast %get3A_446 : i32 to index
        %get3A_448 = arith.index_cast %add3A_438 : i32 to index
        %get3A_449 = arith.constant 16 : index
        %get3A_450 = tpu.vector_load %arg8[%get3A_447, %get3A_448, %get3A_449] {strides = array<i32>} : memref<2x100x32xf32, #tpu.memory_space<vmem>>, vector<1x1x16xf32>,
        %get3A_451 = vector.shape_cast %get3A_450 : vector<1x1x16xf32> to vector<16xf32>
        %max3A_452 = arith.maximumf %max3A_434, %get3A_451 : vector<16xf32>
        %get3A_453 = arith.constant 1 : i32
        %get3A_454 = arith.index_cast %get3A_453 : i32 to index
        %get3A_455 = arith.index_cast %add3A_438 : i32 to index
        %get3A_456 = arith.constant 0 : index
        %get3A_457 = tpu.vector_load %arg8[%get3A_454, %get3A_455, %get3A_456] {strides = array<i32>} : memref<2x100x32xf32, #tpu.memory_space<vmem>>, vector<1x1x16xf32>,
        %get3A_458 = vector.shape_cast %get3A_457 : vector<1x1x16xf32> to vector<16xf32>
        %max3A_459 = arith.maximumf %max3A_445, %get3A_458 : vector<16xf32>
        %get3A_460 = arith.constant 1 : i32
        %get3A_461 = arith.index_cast %get3A_460 : i32 to index
        %get3A_462 = arith.index_cast %add3A_438 : i32 to index
        %get3A_463 = arith.constant 16 : index
        %get3A_464 = tpu.vector_load %arg8[%get3A_461, %get3A_462, %get3A_463] {strides = array<i32>} : memref<2x100x32xf32, #tpu.memory_space<vmem>>, vector<1x1x16xf32>,
        %get3A_465 = vector.shape_cast %get3A_464 : vector<1x1x16xf32> to vector<16xf32>
        %max3A_466 = arith.maximumf %max3A_452, %get3A_465 : vector<16xf32>
        %mul3A_467 = arith.constant 10 : i32
        %mul3A_468 = arith.muli %scan3A_401, %mul3A_467 : i32
        %add3A_469 = arith.constant 2 : i32
        %add3A_470 = arith.addi %mul3A_468, %add3A_469 : i32
        %get3A_471 = arith.constant 0 : i32
        %get3A_472 = arith.index_cast %get3A_471 : i32 to index
        %get3A_473 = arith.index_cast %add3A_470 : i32 to index
        %get3A_474 = arith.constant 0 : index
        %get3A_475 = tpu.vector_load %arg8[%get3A_472, %get3A_473, %get3A_474] {strides = array<i32>} : memref<2x100x32xf32, #tpu.memory_space<vmem>>, vector<1x1x16xf32>,
        %get3A_476 = vector.shape_cast %get3A_475 : vector<1x1x16xf32> to vector<16xf32>
        %max3A_477 = arith.maximumf %max3A_459, %get3A_476 : vector<16xf32>
        %get3A_478 = arith.constant 0 : i32
        %get3A_479 = arith.index_cast %get3A_478 : i32 to index
        %get3A_480 = arith.index_cast %add3A_470 : i32 to index
        %get3A_481 = arith.constant 16 : index
        %get3A_482 = tpu.vector_load %arg8[%get3A_479, %get3A_480, %get3A_481] {strides = array<i32>} : memref<2x100x32xf32, #tpu.memory_space<vmem>>, vector<1x1x16xf32>,
        %get3A_483 = vector.shape_cast %get3A_482 : vector<1x1x16xf32> to vector<16xf32>
        %max3A_484 = arith.maximumf %max3A_466, %get3A_483 : vector<16xf32>
        %get3A_485 = arith.constant 1 : i32
        %get3A_486 = arith.index_cast %get3A_485 : i32 to index
        %get3A_487 = arith.index_cast %add3A_470 : i32 to index
        %get3A_488 = arith.constant 0 : index
        %get3A_489 = tpu.vector_load %arg8[%get3A_486, %get3A_487, %get3A_488] {strides = array<i32>} : memref<2x100x32xf32, #tpu.memory_space<vmem>>, vector<1x1x16xf32>,
        %get3A_490 = vector.shape_cast %get3A_489 : vector<1x1x16xf32> to vector<16xf32>
        %max3A_491 = arith.maximumf %max3A_477, %get3A_490 : vector<16xf32>
        %get3A_492 = arith.constant 1 : i32
        %get3A_493 = arith.index_cast %get3A_492 : i32 to index
        %get3A_494 = arith.index_cast %add3A_470 : i32 to index
        %get3A_495 = arith.constant 16 : index
        %get3A_496 = tpu.vector_load %arg8[%get3A_493, %get3A_494, %get3A_495] {strides = array<i32>} : memref<2x100x32xf32, #tpu.memory_space<vmem>>, vector<1x1x16xf32>,
        %get3A_497 = vector.shape_cast %get3A_496 : vector<1x1x16xf32> to vector<16xf32>
        %max3A_498 = arith.maximumf %max3A_484, %get3A_497 : vector<16xf32>
        %mul3A_499 = arith.constant 10 : i32
        %mul3A_500 = arith.muli %scan3A_401, %mul3A_499 : i32
        %add3A_501 = arith.constant 3 : i32
        %add3A_502 = arith.addi %mul3A_500, %add3A_501 : i32
        %get3A_503 = arith.constant 0 : i32
        %get3A_504 = arith.index_cast %get3A_503 : i32 to index
        %get3A_505 = arith.index_cast %add3A_502 : i32 to index
        %get3A_506 = arith.constant 0 : index
        %get3A_507 = tpu.vector_load %arg8[%get3A_504, %get3A_505, %get3A_506] {strides = array<i32>} : memref<2x100x32xf32, #tpu.memory_space<vmem>>, vector<1x1x16xf32>,
        %get3A_508 = vector.shape_cast %get3A_507 : vector<1x1x16xf32> to vector<16xf32>
        %max3A_509 = arith.maximumf %max3A_491, %get3A_508 : vector<16xf32>
        %get3A_510 = arith.constant 0 : i32
        %get3A_511 = arith.index_cast %get3A_510 : i32 to index
        %get3A_512 = arith.index_cast %add3A_502 : i32 to index
        %get3A_513 = arith.constant 16 : index
        %get3A_514 = tpu.vector_load %arg8[%get3A_511, %get3A_512, %get3A_513] {strides = array<i32>} : memref<2x100x32xf32, #tpu.memory_space<vmem>>, vector<1x1x16xf32>,
        %get3A_515 = vector.shape_cast %get3A_514 : vector<1x1x16xf32> to vector<16xf32>
        %max3A_516 = arith.maximumf %max3A_498, %get3A_515 : vector<16xf32>
        %get3A_517 = arith.constant 1 : i32
        %get3A_518 = arith.index_cast %get3A_517 : i32 to index
        %get3A_519 = arith.index_cast %add3A_502 : i32 to index
        %get3A_520 = arith.constant 0 : index
        %get3A_521 = tpu.vector_load %arg8[%get3A_518, %get3A_519, %get3A_520] {strides = array<i32>} : memref<2x100x32xf32, #tpu.memory_space<vmem>>, vector<1x1x16xf32>,
        %get3A_522 = vector.shape_cast %get3A_521 : vector<1x1x16xf32> to vector<16xf32>
        %max3A_523 = arith.maximumf %max3A_509, %get3A_522 : vector<16xf32>
        %get3A_524 = arith.constant 1 : i32
        %get3A_525 = arith.index_cast %get3A_524 : i32 to index
        %get3A_526 = arith.index_cast %add3A_502 : i32 to index
        %get3A_527 = arith.constant 16 : index
        %get3A_528 = tpu.vector_load %arg8[%get3A_525, %get3A_526, %get3A_527] {strides = array<i32>} : memref<2x100x32xf32, #tpu.memory_space<vmem>>, vector<1x1x16xf32>,
        %get3A_529 = vector.shape_cast %get3A_528 : vector<1x1x16xf32> to vector<16xf32>
        %max3A_530 = arith.maximumf %max3A_516, %get3A_529 : vector<16xf32>
        %mul3A_531 = arith.constant 10 : i32
        %mul3A_532 = arith.muli %scan3A_401, %mul3A_531 : i32
        %add3A_533 = arith.constant 4 : i32
        %add3A_534 = arith.addi %mul3A_532, %add3A_533 : i32
        %get3A_535 = arith.constant 0 : i32
        %get3A_536 = arith.index_cast %get3A_535 : i32 to index
        %get3A_537 = arith.index_cast %add3A_534 : i32 to index
        %get3A_538 = arith.constant 0 : index
        %get3A_539 = tpu.vector_load %arg8[%get3A_536, %get3A_537, %get3A_538] {strides = array<i32>} : memref<2x100x32xf32, #tpu.memory_space<vmem>>, vector<1x1x16xf32>,
        %get3A_540 = vector.shape_cast %get3A_539 : vector<1x1x16xf32> to vector<16xf32>
        %max3A_541 = arith.maximumf %max3A_523, %get3A_540 : vector<16xf32>
        %get3A_542 = arith.constant 0 : i32
        %get3A_543 = arith.index_cast %get3A_542 : i32 to index
        %get3A_544 = arith.index_cast %add3A_534 : i32 to index
        %get3A_545 = arith.constant 16 : index
        %get3A_546 = tpu.vector_load %arg8[%get3A_543, %get3A_544, %get3A_545] {strides = array<i32>} : memref<2x100x32xf32, #tpu.memory_space<vmem>>, vector<1x1x16xf32>,
        %get3A_547 = vector.shape_cast %get3A_546 : vector<1x1x16xf32> to vector<16xf32>
        %max3A_548 = arith.maximumf %max3A_530, %get3A_547 : vector<16xf32>
        %get3A_549 = arith.constant 1 : i32
        %get3A_550 = arith.index_cast %get3A_549 : i32 to index
        %get3A_551 = arith.index_cast %add3A_534 : i32 to index
        %get3A_552 = arith.constant 0 : index
        %get3A_553 = tpu.vector_load %arg8[%get3A_550, %get3A_551, %get3A_552] {strides = array<i32>} : memref<2x100x32xf32, #tpu.memory_space<vmem>>, vector<1x1x16xf32>,
        %get3A_554 = vector.shape_cast %get3A_553 : vector<1x1x16xf32> to vector<16xf32>
        %max3A_555 = arith.maximumf %max3A_541, %get3A_554 : vector<16xf32>
        %get3A_556 = arith.constant 1 : i32
        %get3A_557 = arith.index_cast %get3A_556 : i32 to index
        %get3A_558 = arith.index_cast %add3A_534 : i32 to index
        %get3A_559 = arith.constant 16 : index
        %get3A_560 = tpu.vector_load %arg8[%get3A_557, %get3A_558, %get3A_559] {strides = array<i32>} : memref<2x100x32xf32, #tpu.memory_space<vmem>>, vector<1x1x16xf32>,
        %get3A_561 = vector.shape_cast %get3A_560 : vector<1x1x16xf32> to vector<16xf32>
        %max3A_562 = arith.maximumf %max3A_548, %get3A_561 : vector<16xf32>
        %mul3A_563 = arith.constant 10 : i32
        %mul3A_564 = arith.muli %scan3A_401, %mul3A_563 : i32
        %add3A_565 = arith.constant 5 : i32
        %add3A_566 = arith.addi %mul3A_564, %add3A_565 : i32
        %get3A_567 = arith.constant 0 : i32
        %get3A_568 = arith.index_cast %get3A_567 : i32 to index
        %get3A_569 = arith.index_cast %add3A_566 : i32 to index
        %get3A_570 = arith.constant 0 : index
        %get3A_571 = tpu.vector_load %arg8[%get3A_568, %get3A_569, %get3A_570] {strides = array<i32>} : memref<2x100x32xf32, #tpu.memory_space<vmem>>, vector<1x1x16xf32>,
        %get3A_572 = vector.shape_cast %get3A_571 : vector<1x1x16xf32> to vector<16xf32>
        %max3A_573 = arith.maximumf %max3A_555, %get3A_572 : vector<16xf32>
        %get3A_574 = arith.constant 0 : i32
        %get3A_575 = arith.index_cast %get3A_574 : i32 to index
        %get3A_576 = arith.index_cast %add3A_566 : i32 to index
        %get3A_577 = arith.constant 16 : index
        %get3A_578 = tpu.vector_load %arg8[%get3A_575, %get3A_576, %get3A_577] {strides = array<i32>} : memref<2x100x32xf32, #tpu.memory_space<vmem>>, vector<1x1x16xf32>,
        %get3A_579 = vector.shape_cast %get3A_578 : vector<1x1x16xf32> to vector<16xf32>
        %max3A_580 = arith.maximumf %max3A_562, %get3A_579 : vector<16xf32>
        %get3A_581 = arith.constant 1 : i32
        %get3A_582 = arith.index_cast %get3A_581 : i32 to index
        %get3A_583 = arith.index_cast %add3A_566 : i32 to index
        %get3A_584 = arith.constant 0 : index
        %get3A_585 = tpu.vector_load %arg8[%get3A_582, %get3A_583, %get3A_584] {strides = array<i32>} : memref<2x100x32xf32, #tpu.memory_space<vmem>>, vector<1x1x16xf32>,
        %get3A_586 = vector.shape_cast %get3A_585 : vector<1x1x16xf32> to vector<16xf32>
        %max3A_587 = arith.maximumf %max3A_573, %get3A_586 : vector<16xf32>
        %get3A_588 = arith.constant 1 : i32
        %get3A_589 = arith.index_cast %get3A_588 : i32 to index
        %get3A_590 = arith.index_cast %add3A_566 : i32 to index
        %get3A_591 = arith.constant 16 : index
        %get3A_592 = tpu.vector_load %arg8[%get3A_589, %get3A_590, %get3A_591] {strides = array<i32>} : memref<2x100x32xf32, #tpu.memory_space<vmem>>, vector<1x1x16xf32>,
        %get3A_593 = vector.shape_cast %get3A_592 : vector<1x1x16xf32> to vector<16xf32>
        %max3A_594 = arith.maximumf %max3A_580, %get3A_593 : vector<16xf32>
        %mul3A_595 = arith.constant 10 : i32
        %mul3A_596 = arith.muli %scan3A_401, %mul3A_595 : i32
        %add3A_597 = arith.constant 6 : i32
        %add3A_598 = arith.addi %mul3A_596, %add3A_597 : i32
        %get3A_599 = arith.constant 0 : i32
        %get3A_600 = arith.index_cast %get3A_599 : i32 to index
        %get3A_601 = arith.index_cast %add3A_598 : i32 to index
        %get3A_602 = arith.constant 0 : index
        %get3A_603 = tpu.vector_load %arg8[%get3A_600, %get3A_601, %get3A_602] {strides = array<i32>} : memref<2x100x32xf32, #tpu.memory_space<vmem>>, vector<1x1x16xf32>,
        %get3A_604 = vector.shape_cast %get3A_603 : vector<1x1x16xf32> to vector<16xf32>
        %max3A_605 = arith.maximumf %max3A_587, %get3A_604 : vector<16xf32>
        %get3A_606 = arith.constant 0 : i32
        %get3A_607 = arith.index_cast %get3A_606 : i32 to index
        %get3A_608 = arith.index_cast %add3A_598 : i32 to index
        %get3A_609 = arith.constant 16 : index
        %get3A_610 = tpu.vector_load %arg8[%get3A_607, %get3A_608, %get3A_609] {strides = array<i32>} : memref<2x100x32xf32, #tpu.memory_space<vmem>>, vector<1x1x16xf32>,
        %get3A_611 = vector.shape_cast %get3A_610 : vector<1x1x16xf32> to vector<16xf32>
        %max3A_612 = arith.maximumf %max3A_594, %get3A_611 : vector<16xf32>
        %get3A_613 = arith.constant 1 : i32
        %get3A_614 = arith.index_cast %get3A_613 : i32 to index
        %get3A_615 = arith.index_cast %add3A_598 : i32 to index
        %get3A_616 = arith.constant 0 : index
        %get3A_617 = tpu.vector_load %arg8[%get3A_614, %get3A_615, %get3A_616] {strides = array<i32>} : memref<2x100x32xf32, #tpu.memory_space<vmem>>, vector<1x1x16xf32>,
        %get3A_618 = vector.shape_cast %get3A_617 : vector<1x1x16xf32> to vector<16xf32>
        %max3A_619 = arith.maximumf %max3A_605, %get3A_618 : vector<16xf32>
        %get3A_620 = arith.constant 1 : i32
        %get3A_621 = arith.index_cast %get3A_620 : i32 to index
        %get3A_622 = arith.index_cast %add3A_598 : i32 to index
        %get3A_623 = arith.constant 16 : index
        %get3A_624 = tpu.vector_load %arg8[%get3A_621, %get3A_622, %get3A_623] {strides = array<i32>} : memref<2x100x32xf32, #tpu.memory_space<vmem>>, vector<1x1x16xf32>,
        %get3A_625 = vector.shape_cast %get3A_624 : vector<1x1x16xf32> to vector<16xf32>
        %max3A_626 = arith.maximumf %max3A_612, %get3A_625 : vector<16xf32>
        %mul3A_627 = arith.constant 10 : i32
        %mul3A_628 = arith.muli %scan3A_401, %mul3A_627 : i32
        %add3A_629 = arith.constant 7 : i32
        %add3A_630 = arith.addi %mul3A_628, %add3A_629 : i32
        %get3A_631 = arith.constant 0 : i32
        %get3A_632 = arith.index_cast %get3A_631 : i32 to index
        %get3A_633 = arith.index_cast %add3A_630 : i32 to index
        %get3A_634 = arith.constant 0 : index
        %get3A_635 = tpu.vector_load %arg8[%get3A_632, %get3A_633, %get3A_634] {strides = array<i32>} : memref<2x100x32xf32, #tpu.memory_space<vmem>>, vector<1x1x16xf32>,
        %get3A_636 = vector.shape_cast %get3A_635 : vector<1x1x16xf32> to vector<16xf32>
        %max3A_637 = arith.maximumf %max3A_619, %get3A_636 : vector<16xf32>
        %get3A_638 = arith.constant 0 : i32
        %get3A_639 = arith.index_cast %get3A_638 : i32 to index
        %get3A_640 = arith.index_cast %add3A_630 : i32 to index
        %get3A_641 = arith.constant 16 : index
        %get3A_642 = tpu.vector_load %arg8[%get3A_639, %get3A_640, %get3A_641] {strides = array<i32>} : memref<2x100x32xf32, #tpu.memory_space<vmem>>, vector<1x1x16xf32>,
        %get3A_643 = vector.shape_cast %get3A_642 : vector<1x1x16xf32> to vector<16xf32>
        %max3A_644 = arith.maximumf %max3A_626, %get3A_643 : vector<16xf32>
        %get3A_645 = arith.constant 1 : i32
        %get3A_646 = arith.index_cast %get3A_645 : i32 to index
        %get3A_647 = arith.index_cast %add3A_630 : i32 to index
        %get3A_648 = arith.constant 0 : index
        %get3A_649 = tpu.vector_load %arg8[%get3A_646, %get3A_647, %get3A_648] {strides = array<i32>} : memref<2x100x32xf32, #tpu.memory_space<vmem>>, vector<1x1x16xf32>,
        %get3A_650 = vector.shape_cast %get3A_649 : vector<1x1x16xf32> to vector<16xf32>
        %max3A_651 = arith.maximumf %max3A_637, %get3A_650 : vector<16xf32>
        %get3A_652 = arith.constant 1 : i32
        %get3A_653 = arith.index_cast %get3A_652 : i32 to index
        %get3A_654 = arith.index_cast %add3A_630 : i32 to index
        %get3A_655 = arith.constant 16 : index
        %get3A_656 = tpu.vector_load %arg8[%get3A_653, %get3A_654, %get3A_655] {strides = array<i32>} : memref<2x100x32xf32, #tpu.memory_space<vmem>>, vector<1x1x16xf32>,
        %get3A_657 = vector.shape_cast %get3A_656 : vector<1x1x16xf32> to vector<16xf32>
        %max3A_658 = arith.maximumf %max3A_644, %get3A_657 : vector<16xf32>
        %mul3A_659 = arith.constant 10 : i32
        %mul3A_660 = arith.muli %scan3A_401, %mul3A_659 : i32
        %add3A_661 = arith.constant 8 : i32
        %add3A_662 = arith.addi %mul3A_660, %add3A_661 : i32
        %get3A_663 = arith.constant 0 : i32
        %get3A_664 = arith.index_cast %get3A_663 : i32 to index
        %get3A_665 = arith.index_cast %add3A_662 : i32 to index
        %get3A_666 = arith.constant 0 : index
        %get3A_667 = tpu.vector_load %arg8[%get3A_664, %get3A_665, %get3A_666] {strides = array<i32>} : memref<2x100x32xf32, #tpu.memory_space<vmem>>, vector<1x1x16xf32>,
        %get3A_668 = vector.shape_cast %get3A_667 : vector<1x1x16xf32> to vector<16xf32>
        %max3A_669 = arith.maximumf %max3A_651, %get3A_668 : vector<16xf32>
        %get3A_670 = arith.constant 0 : i32
        %get3A_671 = arith.index_cast %get3A_670 : i32 to index
        %get3A_672 = arith.index_cast %add3A_662 : i32 to index
        %get3A_673 = arith.constant 16 : index
        %get3A_674 = tpu.vector_load %arg8[%get3A_671, %get3A_672, %get3A_673] {strides = array<i32>} : memref<2x100x32xf32, #tpu.memory_space<vmem>>, vector<1x1x16xf32>,
        %get3A_675 = vector.shape_cast %get3A_674 : vector<1x1x16xf32> to vector<16xf32>
        %max3A_676 = arith.maximumf %max3A_658, %get3A_675 : vector<16xf32>
        %get3A_677 = arith.constant 1 : i32
        %get3A_678 = arith.index_cast %get3A_677 : i32 to index
        %get3A_679 = arith.index_cast %add3A_662 : i32 to index
        %get3A_680 = arith.constant 0 : index
        %get3A_681 = tpu.vector_load %arg8[%get3A_678, %get3A_679, %get3A_680] {strides = array<i32>} : memref<2x100x32xf32, #tpu.memory_space<vmem>>, vector<1x1x16xf32>,
        %get3A_682 = vector.shape_cast %get3A_681 : vector<1x1x16xf32> to vector<16xf32>
        %max3A_683 = arith.maximumf %max3A_669, %get3A_682 : vector<16xf32>
        %get3A_684 = arith.constant 1 : i32
        %get3A_685 = arith.index_cast %get3A_684 : i32 to index
        %get3A_686 = arith.index_cast %add3A_662 : i32 to index
        %get3A_687 = arith.constant 16 : index
        %get3A_688 = tpu.vector_load %arg8[%get3A_685, %get3A_686, %get3A_687] {strides = array<i32>} : memref<2x100x32xf32, #tpu.memory_space<vmem>>, vector<1x1x16xf32>,
        %get3A_689 = vector.shape_cast %get3A_688 : vector<1x1x16xf32> to vector<16xf32>
        %max3A_690 = arith.maximumf %max3A_676, %get3A_689 : vector<16xf32>
        %mul3A_691 = arith.constant 10 : i32
        %mul3A_692 = arith.muli %scan3A_401, %mul3A_691 : i32
        %add3A_693 = arith.constant 9 : i32
        %add3A_694 = arith.addi %mul3A_692, %add3A_693 : i32
        %get3A_695 = arith.constant 0 : i32
        %get3A_696 = arith.index_cast %get3A_695 : i32 to index
        %get3A_697 = arith.index_cast %add3A_694 : i32 to index
        %get3A_698 = arith.constant 0 : index
        %get3A_699 = tpu.vector_load %arg8[%get3A_696, %get3A_697, %get3A_698] {strides = array<i32>} : memref<2x100x32xf32, #tpu.memory_space<vmem>>, vector<1x1x16xf32>,
        %get3A_700 = vector.shape_cast %get3A_699 : vector<1x1x16xf32> to vector<16xf32>
        %max3A_701 = arith.maximumf %max3A_683, %get3A_700 : vector<16xf32>
        %get3A_702 = arith.constant 0 : i32
        %get3A_703 = arith.index_cast %get3A_702 : i32 to index
        %get3A_704 = arith.index_cast %add3A_694 : i32 to index
        %get3A_705 = arith.constant 16 : index
        %get3A_706 = tpu.vector_load %arg8[%get3A_703, %get3A_704, %get3A_705] {strides = array<i32>} : memref<2x100x32xf32, #tpu.memory_space<vmem>>, vector<1x1x16xf32>,
        %get3A_707 = vector.shape_cast %get3A_706 : vector<1x1x16xf32> to vector<16xf32>
        %max3A_708 = arith.maximumf %max3A_690, %get3A_707 : vector<16xf32>
        %get3A_709 = arith.constant 1 : i32
        %get3A_710 = arith.index_cast %get3A_709 : i32 to index
        %get3A_711 = arith.index_cast %add3A_694 : i32 to index
        %get3A_712 = arith.constant 0 : index
        %get3A_713 = tpu.vector_load %arg8[%get3A_710, %get3A_711, %get3A_712] {strides = array<i32>} : memref<2x100x32xf32, #tpu.memory_space<vmem>>, vector<1x1x16xf32>,
        %get3A_714 = vector.shape_cast %get3A_713 : vector<1x1x16xf32> to vector<16xf32>
        %max3A_715 = arith.maximumf %max3A_701, %get3A_714 : vector<16xf32>
        %get3A_716 = arith.constant 1 : i32
        %get3A_717 = arith.index_cast %get3A_716 : i32 to index
        %get3A_718 = arith.index_cast %add3A_694 : i32 to index
        %get3A_719 = arith.constant 16 : index
        %get3A_720 = tpu.vector_load %arg8[%get3A_717, %get3A_718, %get3A_719] {strides = array<i32>} : memref<2x100x32xf32, #tpu.memory_space<vmem>>, vector<1x1x16xf32>,
        %get3A_721 = vector.shape_cast %get3A_720 : vector<1x1x16xf32> to vector<16xf32>
        %max3A_722 = arith.maximumf %max3A_708, %get3A_721 : vector<16xf32>
        scf.yield %max3A_715, %max3A_722 : vector<16xf32>, vector<16xf32>
      }
      %scan3A_75 = arith.constant 10 : i32
      %get3A_76 = arith.constant 0 : index
      %get3A_77 = tpu.vector_load %arg11[%get3A_76] {strides = array<i32>} : memref<16xf32, #tpu.memory_space<vmem>>, vector<16xf32>,
      %get3A_78 = vector.shape_cast %get3A_77 : vector<16xf32> to vector<16xf32>
      %slice3A = vector.extract_strided_slice %scan3A_74#0 {offsets = [0], sizes = [1], strides = [1]} : vector<16xf32> to vector<1xf32>
      %squeeze3A = vector.extract %slice3A[0] : f32 from vector<1xf32>
      %get3A_79 = arith.constant 0 : i32
      %get3A_80 = arith.index_cast %get3A_79 : i32 to index
      %get3A_81 = arith.constant 0 : index
      %get3A_82 = tpu.vector_load %arg10[%get3A_80, %get3A_81] {strides = array<i32>} : memref<32x16xf32, #tpu.memory_space<vmem>>, vector<1x16xf32>,
      %get3A_83 = vector.shape_cast %get3A_82 : vector<1x16xf32> to vector<16xf32>
      %mul3A_84 = vector.broadcast %squeeze3A : f32 to vector<16xf32>
      %mul3A_85 = arith.mulf %mul3A_84, %get3A_83 : vector<16xf32>
      %add3A_86 = arith.addf %get3A_78, %mul3A_85 : vector<16xf32>
      %slice3A_87 = vector.extract_strided_slice %scan3A_74#1 {offsets = [0], sizes = [1], strides = [1]} : vector<16xf32> to vector<1xf32>
      %squeeze3A_88 = vector.extract %slice3A_87[0] : f32 from vector<1xf32>
      %get3A_89 = arith.constant 16 : i32
      %get3A_90 = arith.index_cast %get3A_89 : i32 to index
      %get3A_91 = arith.constant 0 : index
      %get3A_92 = tpu.vector_load %arg10[%get3A_90, %get3A_91] {strides = array<i32>} : memref<32x16xf32, #tpu.memory_space<vmem>>, vector<1x16xf32>,
      %get3A_93 = vector.shape_cast %get3A_92 : vector<1x16xf32> to vector<16xf32>
      %mul3A_94 = vector.broadcast %squeeze3A_88 : f32 to vector<16xf32>
      %mul3A_95 = arith.mulf %mul3A_94, %get3A_93 : vector<16xf32>
      %add3A_96 = arith.addf %add3A_86, %mul3A_95 : vector<16xf32>
      %slice3A_97 = vector.extract_strided_slice %scan3A_74#0 {offsets = [1], sizes = [1], strides = [1]} : vector<16xf32> to vector<1xf32>
      %squeeze3A_98 = vector.extract %slice3A_97[0] : f32 from vector<1xf32>
      %get3A_99 = arith.constant 1 : i32
      %get3A_100 = arith.index_cast %get3A_99 : i32 to index
      %get3A_101 = arith.constant 0 : index
      %get3A_102 = tpu.vector_load %arg10[%get3A_100, %get3A_101] {strides = array<i32>} : memref<32x16xf32, #tpu.memory_space<vmem>>, vector<1x16xf32>,
      %get3A_103 = vector.shape_cast %get3A_102 : vector<1x16xf32> to vector<16xf32>
      %mul3A_104 = vector.broadcast %squeeze3A_98 : f32 to vector<16xf32>
      %mul3A_105 = arith.mulf %mul3A_104, %get3A_103 : vector<16xf32>
      %add3A_106 = arith.addf %add3A_96, %mul3A_105 : vector<16xf32>
      %slice3A_107 = vector.extract_strided_slice %scan3A_74#1 {offsets = [1], sizes = [1], strides = [1]} : vector<16xf32> to vector<1xf32>
      %squeeze3A_108 = vector.extract %slice3A_107[0] : f32 from vector<1xf32>
      %get3A_109 = arith.constant 17 : i32
      %get3A_110 = arith.index_cast %get3A_109 : i32 to index
      %get3A_111 = arith.constant 0 : index
      %get3A_112 = tpu.vector_load %arg10[%get3A_110, %get3A_111] {strides = array<i32>} : memref<32x16xf32, #tpu.memory_space<vmem>>, vector<1x16xf32>,
      %get3A_113 = vector.shape_cast %get3A_112 : vector<1x16xf32> to vector<16xf32>
      %mul3A_114 = vector.broadcast %squeeze3A_108 : f32 to vector<16xf32>
      %mul3A_115 = arith.mulf %mul3A_114, %get3A_113 : vector<16xf32>
      %add3A_116 = arith.addf %add3A_106, %mul3A_115 : vector<16xf32>
      %slice3A_117 = vector.extract_strided_slice %scan3A_74#0 {offsets = [2], sizes = [1], strides = [1]} : vector<16xf32> to vector<1xf32>
      %squeeze3A_118 = vector.extract %slice3A_117[0] : f32 from vector<1xf32>
      %get3A_119 = arith.constant 2 : i32
      %get3A_120 = arith.index_cast %get3A_119 : i32 to index
      %get3A_121 = arith.constant 0 : index
      %get3A_122 = tpu.vector_load %arg10[%get3A_120, %get3A_121] {strides = array<i32>} : memref<32x16xf32, #tpu.memory_space<vmem>>, vector<1x16xf32>,
      %get3A_123 = vector.shape_cast %get3A_122 : vector<1x16xf32> to vector<16xf32>
      %mul3A_124 = vector.broadcast %squeeze3A_118 : f32 to vector<16xf32>
      %mul3A_125 = arith.mulf %mul3A_124, %get3A_123 : vector<16xf32>
      %add3A_126 = arith.addf %add3A_116, %mul3A_125 : vector<16xf32>
      %slice3A_127 = vector.extract_strided_slice %scan3A_74#1 {offsets = [2], sizes = [1], strides = [1]} : vector<16xf32> to vector<1xf32>
      %squeeze3A_128 = vector.extract %slice3A_127[0] : f32 from vector<1xf32>
      %get3A_129 = arith.constant 18 : i32
      %get3A_130 = arith.index_cast %get3A_129 : i32 to index
      %get3A_131 = arith.constant 0 : index
      %get3A_132 = tpu.vector_load %arg10[%get3A_130, %get3A_131] {strides = array<i32>} : memref<32x16xf32, #tpu.memory_space<vmem>>, vector<1x16xf32>,
      %get3A_133 = vector.shape_cast %get3A_132 : vector<1x16xf32> to vector<16xf32>
      %mul3A_134 = vector.broadcast %squeeze3A_128 : f32 to vector<16xf32>
      %mul3A_135 = arith.mulf %mul3A_134, %get3A_133 : vector<16xf32>
      %add3A_136 = arith.addf %add3A_126, %mul3A_135 : vector<16xf32>
      %slice3A_137 = vector.extract_strided_slice %scan3A_74#0 {offsets = [3], sizes = [1], strides = [1]} : vector<16xf32> to vector<1xf32>
      %squeeze3A_138 = vector.extract %slice3A_137[0] : f32 from vector<1xf32>
      %get3A_139 = arith.constant 3 : i32
      %get3A_140 = arith.index_cast %get3A_139 : i32 to index
      %get3A_141 = arith.constant 0 : index
      %get3A_142 = tpu.vector_load %arg10[%get3A_140, %get3A_141] {strides = array<i32>} : memref<32x16xf32, #tpu.memory_space<vmem>>, vector<1x16xf32>,
      %get3A_143 = vector.shape_cast %get3A_142 : vector<1x16xf32> to vector<16xf32>
      %mul3A_144 = vector.broadcast %squeeze3A_138 : f32 to vector<16xf32>
      %mul3A_145 = arith.mulf %mul3A_144, %get3A_143 : vector<16xf32>
      %add3A_146 = arith.addf %add3A_136, %mul3A_145 : vector<16xf32>
      %slice3A_147 = vector.extract_strided_slice %scan3A_74#1 {offsets = [3], sizes = [1], strides = [1]} : vector<16xf32> to vector<1xf32>
      %squeeze3A_148 = vector.extract %slice3A_147[0] : f32 from vector<1xf32>
      %get3A_149 = arith.constant 19 : i32
      %get3A_150 = arith.index_cast %get3A_149 : i32 to index
      %get3A_151 = arith.constant 0 : index
      %get3A_152 = tpu.vector_load %arg10[%get3A_150, %get3A_151] {strides = array<i32>} : memref<32x16xf32, #tpu.memory_space<vmem>>, vector<1x16xf32>,
      %get3A_153 = vector.shape_cast %get3A_152 : vector<1x16xf32> to vector<16xf32>
      %mul3A_154 = vector.broadcast %squeeze3A_148 : f32 to vector<16xf32>
      %mul3A_155 = arith.mulf %mul3A_154, %get3A_153 : vector<16xf32>
      %add3A_156 = arith.addf %add3A_146, %mul3A_155 : vector<16xf32>
      %slice3A_157 = vector.extract_strided_slice %scan3A_74#0 {offsets = [4], sizes = [1], strides = [1]} : vector<16xf32> to vector<1xf32>
      %squeeze3A_158 = vector.extract %slice3A_157[0] : f32 from vector<1xf32>
      %get3A_159 = arith.constant 4 : i32
      %get3A_160 = arith.index_cast %get3A_159 : i32 to index
      %get3A_161 = arith.constant 0 : index
      %get3A_162 = tpu.vector_load %arg10[%get3A_160, %get3A_161] {strides = array<i32>} : memref<32x16xf32, #tpu.memory_space<vmem>>, vector<1x16xf32>,
      %get3A_163 = vector.shape_cast %get3A_162 : vector<1x16xf32> to vector<16xf32>
      %mul3A_164 = vector.broadcast %squeeze3A_158 : f32 to vector<16xf32>
      %mul3A_165 = arith.mulf %mul3A_164, %get3A_163 : vector<16xf32>
      %add3A_166 = arith.addf %add3A_156, %mul3A_165 : vector<16xf32>
      %slice3A_167 = vector.extract_strided_slice %scan3A_74#1 {offsets = [4], sizes = [1], strides = [1]} : vector<16xf32> to vector<1xf32>
      %squeeze3A_168 = vector.extract %slice3A_167[0] : f32 from vector<1xf32>
      %get3A_169 = arith.constant 20 : i32
      %get3A_170 = arith.index_cast %get3A_169 : i32 to index
      %get3A_171 = arith.constant 0 : index
      %get3A_172 = tpu.vector_load %arg10[%get3A_170, %get3A_171] {strides = array<i32>} : memref<32x16xf32, #tpu.memory_space<vmem>>, vector<1x16xf32>,
      %get3A_173 = vector.shape_cast %get3A_172 : vector<1x16xf32> to vector<16xf32>
      %mul3A_174 = vector.broadcast %squeeze3A_168 : f32 to vector<16xf32>
      %mul3A_175 = arith.mulf %mul3A_174, %get3A_173 : vector<16xf32>
      %add3A_176 = arith.addf %add3A_166, %mul3A_175 : vector<16xf32>
      %slice3A_177 = vector.extract_strided_slice %scan3A_74#0 {offsets = [5], sizes = [1], strides = [1]} : vector<16xf32> to vector<1xf32>
      %squeeze3A_178 = vector.extract %slice3A_177[0] : f32 from vector<1xf32>
      %get3A_179 = arith.constant 5 : i32
      %get3A_180 = arith.index_cast %get3A_179 : i32 to index
      %get3A_181 = arith.constant 0 : index
      %get3A_182 = tpu.vector_load %arg10[%get3A_180, %get3A_181] {strides = array<i32>} : memref<32x16xf32, #tpu.memory_space<vmem>>, vector<1x16xf32>,
      %get3A_183 = vector.shape_cast %get3A_182 : vector<1x16xf32> to vector<16xf32>
      %mul3A_184 = vector.broadcast %squeeze3A_178 : f32 to vector<16xf32>
      %mul3A_185 = arith.mulf %mul3A_184, %get3A_183 : vector<16xf32>
      %add3A_186 = arith.addf %add3A_176, %mul3A_185 : vector<16xf32>
      %slice3A_187 = vector.extract_strided_slice %scan3A_74#1 {offsets = [5], sizes = [1], strides = [1]} : vector<16xf32> to vector<1xf32>
      %squeeze3A_188 = vector.extract %slice3A_187[0] : f32 from vector<1xf32>
      %get3A_189 = arith.constant 21 : i32
      %get3A_190 = arith.index_cast %get3A_189 : i32 to index
      %get3A_191 = arith.constant 0 : index
      %get3A_192 = tpu.vector_load %arg10[%get3A_190, %get3A_191] {strides = array<i32>} : memref<32x16xf32, #tpu.memory_space<vmem>>, vector<1x16xf32>,
      %get3A_193 = vector.shape_cast %get3A_192 : vector<1x16xf32> to vector<16xf32>
      %mul3A_194 = vector.broadcast %squeeze3A_188 : f32 to vector<16xf32>
      %mul3A_195 = arith.mulf %mul3A_194, %get3A_193 : vector<16xf32>
      %add3A_196 = arith.addf %add3A_186, %mul3A_195 : vector<16xf32>
      %slice3A_197 = vector.extract_strided_slice %scan3A_74#0 {offsets = [6], sizes = [1], strides = [1]} : vector<16xf32> to vector<1xf32>
      %squeeze3A_198 = vector.extract %slice3A_197[0] : f32 from vector<1xf32>
      %get3A_199 = arith.constant 6 : i32
      %get3A_200 = arith.index_cast %get3A_199 : i32 to index
      %get3A_201 = arith.constant 0 : index
      %get3A_202 = tpu.vector_load %arg10[%get3A_200, %get3A_201] {strides = array<i32>} : memref<32x16xf32, #tpu.memory_space<vmem>>, vector<1x16xf32>,
      %get3A_203 = vector.shape_cast %get3A_202 : vector<1x16xf32> to vector<16xf32>
      %mul3A_204 = vector.broadcast %squeeze3A_198 : f32 to vector<16xf32>
      %mul3A_205 = arith.mulf %mul3A_204, %get3A_203 : vector<16xf32>
      %add3A_206 = arith.addf %add3A_196, %mul3A_205 : vector<16xf32>
      %slice3A_207 = vector.extract_strided_slice %scan3A_74#1 {offsets = [6], sizes = [1], strides = [1]} : vector<16xf32> to vector<1xf32>
      %squeeze3A_208 = vector.extract %slice3A_207[0] : f32 from vector<1xf32>
      %get3A_209 = arith.constant 22 : i32
      %get3A_210 = arith.index_cast %get3A_209 : i32 to index
      %get3A_211 = arith.constant 0 : index
      %get3A_212 = tpu.vector_load %arg10[%get3A_210, %get3A_211] {strides = array<i32>} : memref<32x16xf32, #tpu.memory_space<vmem>>, vector<1x16xf32>,
      %get3A_213 = vector.shape_cast %get3A_212 : vector<1x16xf32> to vector<16xf32>
      %mul3A_214 = vector.broadcast %squeeze3A_208 : f32 to vector<16xf32>
      %mul3A_215 = arith.mulf %mul3A_214, %get3A_213 : vector<16xf32>
      %add3A_216 = arith.addf %add3A_206, %mul3A_215 : vector<16xf32>
      %slice3A_217 = vector.extract_strided_slice %scan3A_74#0 {offsets = [7], sizes = [1], strides = [1]} : vector<16xf32> to vector<1xf32>
      %squeeze3A_218 = vector.extract %slice3A_217[0] : f32 from vector<1xf32>
      %get3A_219 = arith.constant 7 : i32
      %get3A_220 = arith.index_cast %get3A_219 : i32 to index
      %get3A_221 = arith.constant 0 : index
      %get3A_222 = tpu.vector_load %arg10[%get3A_220, %get3A_221] {strides = array<i32>} : memref<32x16xf32, #tpu.memory_space<vmem>>, vector<1x16xf32>,
      %get3A_223 = vector.shape_cast %get3A_222 : vector<1x16xf32> to vector<16xf32>
      %mul3A_224 = vector.broadcast %squeeze3A_218 : f32 to vector<16xf32>
      %mul3A_225 = arith.mulf %mul3A_224, %get3A_223 : vector<16xf32>
      %add3A_226 = arith.addf %add3A_216, %mul3A_225 : vector<16xf32>
      %slice3A_227 = vector.extract_strided_slice %scan3A_74#1 {offsets = [7], sizes = [1], strides = [1]} : vector<16xf32> to vector<1xf32>
      %squeeze3A_228 = vector.extract %slice3A_227[0] : f32 from vector<1xf32>
      %get3A_229 = arith.constant 23 : i32
      %get3A_230 = arith.index_cast %get3A_229 : i32 to index
      %get3A_231 = arith.constant 0 : index
      %get3A_232 = tpu.vector_load %arg10[%get3A_230, %get3A_231] {strides = array<i32>} : memref<32x16xf32, #tpu.memory_space<vmem>>, vector<1x16xf32>,
      %get3A_233 = vector.shape_cast %get3A_232 : vector<1x16xf32> to vector<16xf32>
      %mul3A_234 = vector.broadcast %squeeze3A_228 : f32 to vector<16xf32>
      %mul3A_235 = arith.mulf %mul3A_234, %get3A_233 : vector<16xf32>
      %add3A_236 = arith.addf %add3A_226, %mul3A_235 : vector<16xf32>
      %slice3A_237 = vector.extract_strided_slice %scan3A_74#0 {offsets = [8], sizes = [1], strides = [1]} : vector<16xf32> to vector<1xf32>
      %squeeze3A_238 = vector.extract %slice3A_237[0] : f32 from vector<1xf32>
      %get3A_239 = arith.constant 8 : i32
      %get3A_240 = arith.index_cast %get3A_239 : i32 to index
      %get3A_241 = arith.constant 0 : index
      %get3A_242 = tpu.vector_load %arg10[%get3A_240, %get3A_241] {strides = array<i32>} : memref<32x16xf32, #tpu.memory_space<vmem>>, vector<1x16xf32>,
      %get3A_243 = vector.shape_cast %get3A_242 : vector<1x16xf32> to vector<16xf32>
      %mul3A_244 = vector.broadcast %squeeze3A_238 : f32 to vector<16xf32>
      %mul3A_245 = arith.mulf %mul3A_244, %get3A_243 : vector<16xf32>
      %add3A_246 = arith.addf %add3A_236, %mul3A_245 : vector<16xf32>
      %slice3A_247 = vector.extract_strided_slice %scan3A_74#1 {offsets = [8], sizes = [1], strides = [1]} : vector<16xf32> to vector<1xf32>
      %squeeze3A_248 = vector.extract %slice3A_247[0] : f32 from vector<1xf32>
      %get3A_249 = arith.constant 24 : i32
      %get3A_250 = arith.index_cast %get3A_249 : i32 to index
      %get3A_251 = arith.constant 0 : index
      %get3A_252 = tpu.vector_load %arg10[%get3A_250, %get3A_251] {strides = array<i32>} : memref<32x16xf32, #tpu.memory_space<vmem>>, vector<1x16xf32>,
      %get3A_253 = vector.shape_cast %get3A_252 : vector<1x16xf32> to vector<16xf32>
      %mul3A_254 = vector.broadcast %squeeze3A_248 : f32 to vector<16xf32>
      %mul3A_255 = arith.mulf %mul3A_254, %get3A_253 : vector<16xf32>
      %add3A_256 = arith.addf %add3A_246, %mul3A_255 : vector<16xf32>
      %slice3A_257 = vector.extract_strided_slice %scan3A_74#0 {offsets = [9], sizes = [1], strides = [1]} : vector<16xf32> to vector<1xf32>
      %squeeze3A_258 = vector.extract %slice3A_257[0] : f32 from vector<1xf32>
      %get3A_259 = arith.constant 9 : i32
      %get3A_260 = arith.index_cast %get3A_259 : i32 to index
      %get3A_261 = arith.constant 0 : index
      %get3A_262 = tpu.vector_load %arg10[%get3A_260, %get3A_261] {strides = array<i32>} : memref<32x16xf32, #tpu.memory_space<vmem>>, vector<1x16xf32>,
      %get3A_263 = vector.shape_cast %get3A_262 : vector<1x16xf32> to vector<16xf32>
      %mul3A_264 = vector.broadcast %squeeze3A_258 : f32 to vector<16xf32>
      %mul3A_265 = arith.mulf %mul3A_264, %get3A_263 : vector<16xf32>
      %add3A_266 = arith.addf %add3A_256, %mul3A_265 : vector<16xf32>
      %slice3A_267 = vector.extract_strided_slice %scan3A_74#1 {offsets = [9], sizes = [1], strides = [1]} : vector<16xf32> to vector<1xf32>
      %squeeze3A_268 = vector.extract %slice3A_267[0] : f32 from vector<1xf32>
      %get3A_269 = arith.constant 25 : i32
      %get3A_270 = arith.index_cast %get3A_269 : i32 to index
      %get3A_271 = arith.constant 0 : index
      %get3A_272 = tpu.vector_load %arg10[%get3A_270, %get3A_271] {strides = array<i32>} : memref<32x16xf32, #tpu.memory_space<vmem>>, vector<1x16xf32>,
      %get3A_273 = vector.shape_cast %get3A_272 : vector<1x16xf32> to vector<16xf32>
      %mul3A_274 = vector.broadcast %squeeze3A_268 : f32 to vector<16xf32>
      %mul3A_275 = arith.mulf %mul3A_274, %get3A_273 : vector<16xf32>
      %add3A_276 = arith.addf %add3A_266, %mul3A_275 : vector<16xf32>
      %slice3A_277 = vector.extract_strided_slice %scan3A_74#0 {offsets = [10], sizes = [1], strides = [1]} : vector<16xf32> to vector<1xf32>
      %squeeze3A_278 = vector.extract %slice3A_277[0] : f32 from vector<1xf32>
      %get3A_279 = arith.constant 10 : i32
      %get3A_280 = arith.index_cast %get3A_279 : i32 to index
      %get3A_281 = arith.constant 0 : index
      %get3A_282 = tpu.vector_load %arg10[%get3A_280, %get3A_281] {strides = array<i32>} : memref<32x16xf32, #tpu.memory_space<vmem>>, vector<1x16xf32>,
      %get3A_283 = vector.shape_cast %get3A_282 : vector<1x16xf32> to vector<16xf32>
      %mul3A_284 = vector.broadcast %squeeze3A_278 : f32 to vector<16xf32>
      %mul3A_285 = arith.mulf %mul3A_284, %get3A_283 : vector<16xf32>
      %add3A_286 = arith.addf %add3A_276, %mul3A_285 : vector<16xf32>
      %slice3A_287 = vector.extract_strided_slice %scan3A_74#1 {offsets = [10], sizes = [1], strides = [1]} : vector<16xf32> to vector<1xf32>
      %squeeze3A_288 = vector.extract %slice3A_287[0] : f32 from vector<1xf32>
      %get3A_289 = arith.constant 26 : i32
      %get3A_290 = arith.index_cast %get3A_289 : i32 to index
      %get3A_291 = arith.constant 0 : index
      %get3A_292 = tpu.vector_load %arg10[%get3A_290, %get3A_291] {strides = array<i32>} : memref<32x16xf32, #tpu.memory_space<vmem>>, vector<1x16xf32>,
      %get3A_293 = vector.shape_cast %get3A_292 : vector<1x16xf32> to vector<16xf32>
      %mul3A_294 = vector.broadcast %squeeze3A_288 : f32 to vector<16xf32>
      %mul3A_295 = arith.mulf %mul3A_294, %get3A_293 : vector<16xf32>
      %add3A_296 = arith.addf %add3A_286, %mul3A_295 : vector<16xf32>
      %slice3A_297 = vector.extract_strided_slice %scan3A_74#0 {offsets = [11], sizes = [1], strides = [1]} : vector<16xf32> to vector<1xf32>
      %squeeze3A_298 = vector.extract %slice3A_297[0] : f32 from vector<1xf32>
      %get3A_299 = arith.constant 11 : i32
      %get3A_300 = arith.index_cast %get3A_299 : i32 to index
      %get3A_301 = arith.constant 0 : index
      %get3A_302 = tpu.vector_load %arg10[%get3A_300, %get3A_301] {strides = array<i32>} : memref<32x16xf32, #tpu.memory_space<vmem>>, vector<1x16xf32>,
      %get3A_303 = vector.shape_cast %get3A_302 : vector<1x16xf32> to vector<16xf32>
      %mul3A_304 = vector.broadcast %squeeze3A_298 : f32 to vector<16xf32>
      %mul3A_305 = arith.mulf %mul3A_304, %get3A_303 : vector<16xf32>
      %add3A_306 = arith.addf %add3A_296, %mul3A_305 : vector<16xf32>
      %slice3A_307 = vector.extract_strided_slice %scan3A_74#1 {offsets = [11], sizes = [1], strides = [1]} : vector<16xf32> to vector<1xf32>
      %squeeze3A_308 = vector.extract %slice3A_307[0] : f32 from vector<1xf32>
      %get3A_309 = arith.constant 27 : i32
      %get3A_310 = arith.index_cast %get3A_309 : i32 to index
      %get3A_311 = arith.constant 0 : index
      %get3A_312 = tpu.vector_load %arg10[%get3A_310, %get3A_311] {strides = array<i32>} : memref<32x16xf32, #tpu.memory_space<vmem>>, vector<1x16xf32>,
      %get3A_313 = vector.shape_cast %get3A_312 : vector<1x16xf32> to vector<16xf32>
      %mul3A_314 = vector.broadcast %squeeze3A_308 : f32 to vector<16xf32>
      %mul3A_315 = arith.mulf %mul3A_314, %get3A_313 : vector<16xf32>
      %add3A_316 = arith.addf %add3A_306, %mul3A_315 : vector<16xf32>
      %slice3A_317 = vector.extract_strided_slice %scan3A_74#0 {offsets = [12], sizes = [1], strides = [1]} : vector<16xf32> to vector<1xf32>
      %squeeze3A_318 = vector.extract %slice3A_317[0] : f32 from vector<1xf32>
      %get3A_319 = arith.constant 12 : i32
      %get3A_320 = arith.index_cast %get3A_319 : i32 to index
      %get3A_321 = arith.constant 0 : index
      %get3A_322 = tpu.vector_load %arg10[%get3A_320, %get3A_321] {strides = array<i32>} : memref<32x16xf32, #tpu.memory_space<vmem>>, vector<1x16xf32>,
      %get3A_323 = vector.shape_cast %get3A_322 : vector<1x16xf32> to vector<16xf32>
      %mul3A_324 = vector.broadcast %squeeze3A_318 : f32 to vector<16xf32>
      %mul3A_325 = arith.mulf %mul3A_324, %get3A_323 : vector<16xf32>
      %add3A_326 = arith.addf %add3A_316, %mul3A_325 : vector<16xf32>
      %slice3A_327 = vector.extract_strided_slice %scan3A_74#1 {offsets = [12], sizes = [1], strides = [1]} : vector<16xf32> to vector<1xf32>
      %squeeze3A_328 = vector.extract %slice3A_327[0] : f32 from vector<1xf32>
      %get3A_329 = arith.constant 28 : i32
      %get3A_330 = arith.index_cast %get3A_329 : i32 to index
      %get3A_331 = arith.constant 0 : index
      %get3A_332 = tpu.vector_load %arg10[%get3A_330, %get3A_331] {strides = array<i32>} : memref<32x16xf32, #tpu.memory_space<vmem>>, vector<1x16xf32>,
      %get3A_333 = vector.shape_cast %get3A_332 : vector<1x16xf32> to vector<16xf32>
      %mul3A_334 = vector.broadcast %squeeze3A_328 : f32 to vector<16xf32>
      %mul3A_335 = arith.mulf %mul3A_334, %get3A_333 : vector<16xf32>
      %add3A_336 = arith.addf %add3A_326, %mul3A_335 : vector<16xf32>
      %slice3A_337 = vector.extract_strided_slice %scan3A_74#0 {offsets = [13], sizes = [1], strides = [1]} : vector<16xf32> to vector<1xf32>
      %squeeze3A_338 = vector.extract %slice3A_337[0] : f32 from vector<1xf32>
      %get3A_339 = arith.constant 13 : i32
      %get3A_340 = arith.index_cast %get3A_339 : i32 to index
      %get3A_341 = arith.constant 0 : index
      %get3A_342 = tpu.vector_load %arg10[%get3A_340, %get3A_341] {strides = array<i32>} : memref<32x16xf32, #tpu.memory_space<vmem>>, vector<1x16xf32>,
      %get3A_343 = vector.shape_cast %get3A_342 : vector<1x16xf32> to vector<16xf32>
      %mul3A_344 = vector.broadcast %squeeze3A_338 : f32 to vector<16xf32>
      %mul3A_345 = arith.mulf %mul3A_344, %get3A_343 : vector<16xf32>
      %add3A_346 = arith.addf %add3A_336, %mul3A_345 : vector<16xf32>
      %slice3A_347 = vector.extract_strided_slice %scan3A_74#1 {offsets = [13], sizes = [1], strides = [1]} : vector<16xf32> to vector<1xf32>
      %squeeze3A_348 = vector.extract %slice3A_347[0] : f32 from vector<1xf32>
      %get3A_349 = arith.constant 29 : i32
      %get3A_350 = arith.index_cast %get3A_349 : i32 to index
      %get3A_351 = arith.constant 0 : index
      %get3A_352 = tpu.vector_load %arg10[%get3A_350, %get3A_351] {strides = array<i32>} : memref<32x16xf32, #tpu.memory_space<vmem>>, vector<1x16xf32>,
      %get3A_353 = vector.shape_cast %get3A_352 : vector<1x16xf32> to vector<16xf32>
      %mul3A_354 = vector.broadcast %squeeze3A_348 : f32 to vector<16xf32>
      %mul3A_355 = arith.mulf %mul3A_354, %get3A_353 : vector<16xf32>
      %add3A_356 = arith.addf %add3A_346, %mul3A_355 : vector<16xf32>
      %slice3A_357 = vector.extract_strided_slice %scan3A_74#0 {offsets = [14], sizes = [1], strides = [1]} : vector<16xf32> to vector<1xf32>
      %squeeze3A_358 = vector.extract %slice3A_357[0] : f32 from vector<1xf32>
      %get3A_359 = arith.constant 14 : i32
      %get3A_360 = arith.index_cast %get3A_359 : i32 to index
      %get3A_361 = arith.constant 0 : index
      %get3A_362 = tpu.vector_load %arg10[%get3A_360, %get3A_361] {strides = array<i32>} : memref<32x16xf32, #tpu.memory_space<vmem>>, vector<1x16xf32>,
      %get3A_363 = vector.shape_cast %get3A_362 : vector<1x16xf32> to vector<16xf32>
      %mul3A_364 = vector.broadcast %squeeze3A_358 : f32 to vector<16xf32>
      %mul3A_365 = arith.mulf %mul3A_364, %get3A_363 : vector<16xf32>
      %add3A_366 = arith.addf %add3A_356, %mul3A_365 : vector<16xf32>
      %slice3A_367 = vector.extract_strided_slice %scan3A_74#1 {offsets = [14], sizes = [1], strides = [1]} : vector<16xf32> to vector<1xf32>
      %squeeze3A_368 = vector.extract %slice3A_367[0] : f32 from vector<1xf32>
      %get3A_369 = arith.constant 30 : i32
      %get3A_370 = arith.index_cast %get3A_369 : i32 to index
      %get3A_371 = arith.constant 0 : index
      %get3A_372 = tpu.vector_load %arg10[%get3A_370, %get3A_371] {strides = array<i32>} : memref<32x16xf32, #tpu.memory_space<vmem>>, vector<1x16xf32>,
      %get3A_373 = vector.shape_cast %get3A_372 : vector<1x16xf32> to vector<16xf32>
      %mul3A_374 = vector.broadcast %squeeze3A_368 : f32 to vector<16xf32>
      %mul3A_375 = arith.mulf %mul3A_374, %get3A_373 : vector<16xf32>
      %add3A_376 = arith.addf %add3A_366, %mul3A_375 : vector<16xf32>
      %slice3A_377 = vector.extract_strided_slice %scan3A_74#0 {offsets = [15], sizes = [1], strides = [1]} : vector<16xf32> to vector<1xf32>
      %squeeze3A_378 = vector.extract %slice3A_377[0] : f32 from vector<1xf32>
      %get3A_379 = arith.constant 15 : i32
      %get3A_380 = arith.index_cast %get3A_379 : i32 to index
      %get3A_381 = arith.constant 0 : index
      %get3A_382 = tpu.vector_load %arg10[%get3A_380, %get3A_381] {strides = array<i32>} : memref<32x16xf32, #tpu.memory_space<vmem>>, vector<1x16xf32>,
      %get3A_383 = vector.shape_cast %get3A_382 : vector<1x16xf32> to vector<16xf32>
      %mul3A_384 = vector.broadcast %squeeze3A_378 : f32 to vector<16xf32>
      %mul3A_385 = arith.mulf %mul3A_384, %get3A_383 : vector<16xf32>
      %add3A_386 = arith.addf %add3A_376, %mul3A_385 : vector<16xf32>
      %slice3A_387 = vector.extract_strided_slice %scan3A_74#1 {offsets = [15], sizes = [1], strides = [1]} : vector<16xf32> to vector<1xf32>
      %squeeze3A_388 = vector.extract %slice3A_387[0] : f32 from vector<1xf32>
      %get3A_389 = arith.constant 31 : i32
      %get3A_390 = arith.index_cast %get3A_389 : i32 to index
      %get3A_391 = arith.constant 0 : index
      %get3A_392 = tpu.vector_load %arg10[%get3A_390, %get3A_391] {strides = array<i32>} : memref<32x16xf32, #tpu.memory_space<vmem>>, vector<1x16xf32>,
      %get3A_393 = vector.shape_cast %get3A_392 : vector<1x16xf32> to vector<16xf32>
      %mul3A_394 = vector.broadcast %squeeze3A_388 : f32 to vector<16xf32>
      %mul3A_395 = arith.mulf %mul3A_394, %get3A_393 : vector<16xf32>
      %add3A_396 = arith.addf %add3A_386, %mul3A_395 : vector<16xf32>
      %swap3A = arith.index_cast %scan3A_8 : i32 to index
      %swap3A_397 = arith.constant 0 : index
      %swap3A_398 = tpu.vector_load %arg9[%swap3A, %swap3A_397] {strides = array<i32>} : memref<128x16xf32, #tpu.memory_space<vmem>>, vector<1x16xf32>,
      %swap3A_399 = vector.shape_cast %swap3A_398 : vector<1x16xf32> to vector<16xf32>
      %swap3A_400 = vector.shape_cast %add3A_396 : vector<16xf32> to vector<1x16xf32>
      tpu.vector_store %arg9[%swap3A, %swap3A_397], %swap3A_400 {strides = array<i32>} : memref<128x16xf32, #tpu.memory_space<vmem>>, vector<1x16xf32>,
    }
    %scan3A_5 = arith.constant 128 : i32
    %mul3A_6 = arith.constant 128 : i32
    %mul3A_7 = arith.muli %add3A, %mul3A_6 : i32
    "tpu.region"() ({
      %run_scoped3A = tpu.sem_alloc : memref<!tpu.dma_semaphore, #tpu.memory_space<semaphore_mem>>
      %dma_start3A = arith.constant 0 : i32
      %dma_start3A_8 = tpu.memref_slice %arg6[%mul3A_7, %dma_start3A] : memref<4096x16xf32, #tpu.memory_space<hbm>> -> memref<128x16xf32, #tpu.memory_space<hbm>>
      %dma_start3A_9 = arith.constant 0 : i32
      %dma_start3A_10 = tpu.memref_slice %arg6[%mul3A_7, %dma_start3A_9] : memref<4096x16xf32, #tpu.memory_space<hbm>> -> memref<128x16xf32, #tpu.memory_space<hbm>>
      tpu.enqueue_dma source(%arg9 : memref<128x16xf32, #tpu.memory_space<vmem>>) target(%dma_start3A_10 : memref<128x16xf32, #tpu.memory_space<hbm>>) target_semaphore(%run_scoped3A : memref<!tpu.dma_semaphore, #tpu.memory_space<semaphore_mem>>)
      %dma_wait3A = arith.constant 0 : i32
      %dma_wait3A_11 = tpu.memref_slice %arg6[%mul3A_7, %dma_wait3A] : memref<4096x16xf32, #tpu.memory_space<hbm>> -> memref<128x16xf32, #tpu.memory_space<hbm>>
      %dma_wait3A_12 = arith.constant 0 : i32
      %dma_wait3A_13 = tpu.memref_slice %arg6[%mul3A_7, %dma_wait3A_12] : memref<4096x16xf32, #tpu.memory_space<hbm>> -> memref<128x16xf32, #tpu.memory_space<hbm>>
      tpu.wait_dma2 semaphore(%run_scoped3A : memref<!tpu.dma_semaphore, #tpu.memory_space<semaphore_mem>>) src(%arg9 : memref<128x16xf32, #tpu.memory_space<vmem>>) dst(%dma_wait3A_13 : memref<128x16xf32, #tpu.memory_space<hbm>>)
      tpu.yield
    }) : () -> ()
    return
  }
}

</mosaic_0001>

<sc_bundles>
// kernel: kernel.3.cloned.1.call-start
scs
__scs_entry_jumppad:
0x0: {  	(pc) =	sbr.rel $0x88, $3  }
0x1: {  	(tag) =	ssettag $0x0;
	lr =	simm.s32 $0x1  }
0x2: {  	[smem:$0x3F9D] =	sst lr;
	_ =	strace $0xD0000000  }
0x3: {  	_ = 	snop  }
0x4: {  	_ = 	snop  }
0x5: {  	_ = 	snop  }
0x6: {  	_ = 	snop  }
0x7: {  	_ = 	snop  }
__scs_overlays_trampoline_lowered:
0x8: {  	[smem:$0x3FAC] =	sst s0  }
0x9: {  	[smem:$0x3FAD] =	sst s1  }
0xa: {  	[smem:$0x3FAE] =	sst s2  }
0xb: {  	[smem:$0x3FAF] =	sst s3  }
0xc: {  	[smem:$0x3FB0] =	sst s4  }
0xd: {  	[smem:$0x3FB1] =	sst s5  }
0xe: {  	[smem:$0x3FB2] =	sst s6  }
0xf: {  	[smem:$0x3FB3] =	sst s7  }
0x10: {  	[smem:$0x3FB4] =	sst s8  }
0x11: {  	[smem:$0x3FB5] =	sst s9;
	s0 =	simm.s32 @!p0 $0x0  }
0x12: {  	s1 =	sld [smem:$0x3F9B];
	s0 =	simm.s32 @p0 $0x1  }
0x13: {  	[smem:$0x3FB6] =	sst s0;
	s0 =	simm.s32 @!p1 $0x0  }
0x14: {  	s2 =	sld [smem:$0x3F9A];
	s0 =	simm.s32 @p1 $0x1  }
0x15: {  	[smem:$0x3FB7] =	sst s0;
	s0 =	simm.s32 @!p2 $0x0  }
0x16: {  	s3 =	sld [smem:$0x3FDB];
	s0 =	simm.s32 @p2 $0x1  }
0x17: {  	s4 =	simm.s32 $0x1BF5;
	[smem:$0x3FB9] =	sst s0  }
0x18: {  	s0 =	sld [smem:$0x3F9C];
	_ =	swait.ge [sflag:s4], $0x0  }
0x19: {  	s7 =	sld [smem:$0x3F9D]  }
0x1a: {  	s8 =	sadd.s32 $0xFFFFE003, lr  }
0x1b: {  	s9 =	sadd.s32 $0xFFFFFEF7, lr;
	s5 =	simm.s32 $0xFFFFFFFF;
	p2 =	slt.u32 s8, $0xFFFFF086  }
0x1c: {  	p1 =	slt.u32 s9, $0xF7A;
	s5 =	simm.s32 @!p2 $0x0  }
0x1d: {  	s5 =	simm.s32 @p1 $0x1;
	p0 =	seq.s32 s7, s2  }
0x1e: {  	s7 =	smul.u32 @!p0 $0xF7A, s2;
	p2 =	seq.s32 @!p0 s5, $0x0  }
0x1f: {  	s9 =	smul.u32 $0xF7A, s1;
	s8 =	simm.s32 @!p0 $0x1BF5;
	p2 =	por !p2, p0  }
0x20: {  	[sflag:s8] =	ssyncset.s32 @!p0 $0xFFFFF086;
	s6 =	sadd.s32 @!p0 s3, s7;
	s7 =	simm.s32 @!p0 $0x108  }
0x21: {  	s3 =	sadd.s32 s3, s9;
	s6 =	sadd.s32 @!p0 $0x88, s6;
	s7 =	simm.s32 @p2 $0x1082  }
0x22: {  	[simem:s7], [sflag:s8] =	dma.local @!p0 [hbm:s6], $0xF7A  }
0x23: {  	s9 =	sor.u32 $0xD0000000, s2;
	s6 =	simm.s32 $0x108;
	_ =	swait.ge @!p0 [sflag:s8], $0x0  }
0x24: {  	s3 =	sadd.s32 $0x88, s3;
	s6 =	simm.s32 @!p1 $0x1082;
	[sflag:s4] =	ssyncset.s32 $0xFFFFF086  }
0x25: {  	[simem:s6], [sflag:s4] =	dma.local [hbm:s3], $0xF7A  }
0x26: {  	[smem:$0x3F9D] =	sst s1;
	(tag) =	ssettag s2;
	_ =	strace s9  }
0x27: {  	s1 =	sld [smem:$0x3FAD]  }
0x28: {  	s2 =	sld [smem:$0x3FAE]  }
0x29: {  	s4 =	sld [smem:$0x3FB0]  }
0x2a: {  	p0 =	seq.s32 s5, $0x0;
	s5 =	sld [smem:$0x3FB1]  }
0x2b: {  	s6 =	sld [smem:$0x3FB2]  }
0x2c: {  	s7 =	sld [smem:$0x3FB3]  }
0x2d: {  	s3 =	simm.s32 $0x108;
	s8 =	sld [smem:$0x3FB4]  }
0x2e: {  	s3 =	simm.s32 @!p0 $0x1082;
	s9 =	sld [smem:$0x3FB5]  }
0x2f: {  	lr =	sadd.s32 s0, s3;
	s0 =	sld [smem:$0x3FAC]  }
0x30: {  	s3 =	sld [smem:$0x3FAF]  }
0x31: {  	[smem:$0x3FB8] =	sst s10  }
0x32: {  	s10 =	sld [smem:$0x3FB6];
	_ =	sdelay $0x3  }
0x33: {  	p0 =	seq.s32 s10, $0x1;
	s10 =	sld [smem:$0x3FB8];
	_ =	sdelay $0x3  }
0x34: {  	[smem:$0x3FB8] =	sst s10  }
0x35: {  	s10 =	sld [smem:$0x3FB7];
	_ =	sdelay $0x3  }
0x36: {  	p1 =	seq.s32 s10, $0x1;
	s10 =	sld [smem:$0x3FB8];
	_ =	sdelay $0x3  }
0x37: {  	[smem:$0x3FB8] =	sst s10  }
0x38: {  	s10 =	sld [smem:$0x3FB9]  }
0x39: {  	_ = 	snop;
	(pc) =	sbr.ind lr, $3  }
0x3a: {  	_ = 	snop  }
0x3b: {  	_ = 	snop  }
0x3c: {  	p2 =	seq.s32 s10, $0x1;
	s10 =	sld [smem:$0x3FB8]  }
0x3d: {  	_ =	shalt  }
0x3e: {  	_ =	shalt  }
0x3f: {  	_ =	shalt  }
0x40: {  	_ =	shalt  }
0x41: {  	_ =	shalt  }
0x42: {  	_ =	shalt  }
0x43: {  	_ =	shalt  }
0x44: {  	_ =	shalt  }
0x45: {  	_ =	shalt  }
0x46: {  	_ =	shalt  }
0x47: {  	_ =	shalt  }
0x48: {  	_ =	shalt  }
0x49: {  	_ =	shalt  }
0x4a: {  	_ =	shalt  }
0x4b: {  	_ =	shalt  }
0x4c: {  	_ =	shalt  }
0x4d: {  	_ =	shalt  }
0x4e: {  	_ =	shalt  }
0x4f: {  	_ =	shalt  }
0x50: {  	_ =	shalt  }
0x51: {  	_ =	shalt  }
0x52: {  	_ =	shalt  }
0x53: {  	_ =	shalt  }
0x54: {  	_ =	shalt  }
0x55: {  	_ =	shalt  }
0x56: {  	_ =	shalt  }
0x57: {  	_ =	shalt  }
0x58: {  	_ =	shalt  }
0x59: {  	_ =	shalt  }
0x5a: {  	_ =	shalt  }
0x5b: {  	_ =	shalt  }
0x5c: {  	_ =	shalt  }
0x5d: {  	_ =	shalt  }
0x5e: {  	_ =	shalt  }
0x5f: {  	_ =	shalt  }
0x60: {  	_ =	shalt  }
0x61: {  	_ =	shalt  }
0x62: {  	_ =	shalt  }
0x63: {  	_ =	shalt  }
0x64: {  	_ =	shalt  }
0x65: {  	_ =	shalt  }
0x66: {  	_ =	shalt  }
0x67: {  	_ =	shalt  }
0x68: {  	_ =	shalt  }
0x69: {  	_ =	shalt  }
0x6a: {  	_ =	shalt  }
0x6b: {  	_ =	shalt  }
0x6c: {  	_ =	shalt  }
0x6d: {  	_ =	shalt  }
0x6e: {  	_ =	shalt  }
0x6f: {  	_ =	shalt  }
0x70: {  	_ =	shalt  }
0x71: {  	_ =	shalt  }
0x72: {  	_ =	shalt  }
0x73: {  	_ =	shalt  }
0x74: {  	_ =	shalt  }
0x75: {  	_ =	shalt  }
0x76: {  	_ =	shalt  }
0x77: {  	_ =	shalt  }
0x78: {  	_ =	shalt  }
0x79: {  	_ =	shalt  }
0x7a: {  	_ =	shalt  }
0x7b: {  	_ =	shalt  }
0x7c: {  	_ =	shalt  }
0x7d: {  	_ =	shalt  }
0x7e: {  	_ =	shalt  }
0x7f: {  	_ =	shalt  }
0x80: {  	_ =	shalt  }
0x81: {  	_ =	shalt  }
0x82: {  	_ =	shalt  }
0x83: {  	_ =	shalt  }
0x84: {  	_ =	shalt  }
0x85: {  	_ =	shalt  }
0x86: {  	_ =	shalt  }
0x87: {  	_ =	shalt  }
.Lfunc_end0:
.L_simem_size_0:
called_computation_lowered:
.L_overlay_start_0:
0x88: {  	s2 =	sld [smem:$0x3FD9]  }
0x89: {  	s3 =	sld [smem:$0x3FFE];
	_ =	sdelay $0x1  }
0x8a: {  	s1 =	srdreg.scid  }
0x8b: {  	s0 =	sand.u32 $0x1, s1  }
0x8c: {  	s17 =	sshll.u32 s0, $0xA;
	s2 =	sadd.s32 s3, s2  }
0x8d: {  	s2 =	sadd.s32 s2, s17  }
0x8e: {  	[smem:$0x3FC4] =	sst s2  }
0x8f: {  	_ = 	snop  }
0x90: {  	s2 =	sld [smem:$0x3FC6]  }
0x91: {  	s18 =	sld [smem:$0x3FD0];
	(tm) =	ssettm $0x1  }
0x92: {  	s4 =	sld [smem:$0x3FFB];
	_ =	sdelay $0x3  }
0x93: {  	_ =	strace s4  }
0x94: {  	s4 =	sld [smem:$0x3FFC];
	_ =	sdelay $0x3  }
0x95: {  	_ =	strace s4  }
0x96: {  	s4 =	sld [smem:$0x3FFD];
	_ =	sdelay $0x3  }
0x97: {  	_ =	strace s4  }
0x98: {  	_ =	strace $0x8FFFFFFF  }
0x99: {  	s19 =	sld [smem:$0x3FDB];
	_ =	sdelay $0x1  }
0x9a: {  	s5 =	simm.s32 $_scs_section_size  }
0x9b: {  	s6 =	simm.s32 $_size__tile_overlayer_lowered;
	s7 =	simm.s32 $_tile_overlayer_lowered  }
0x9c: {  	s22 =	simm.s32 $0x1BFF;
	s21 =	sshll.u32 s7, $0x1;
	s4 =	sadd.s32 s5, s19  }
0x9d: {  	s8 =	simm.s32 $0x0;
	s20 =	sshll.u32 s6, $0x1;
	s6 =	sadd.s32 s21, s4  }
0x9e: {  	[timem:s8], [sflag:s22] =	dma.local [hbm:s6], s20  }
0x9f: {  	_ =	swait.ge [sflag:s22], s20  }
0xa0: {  	s5 =	ssub.s32 $0x0, s20;
	[sflag:s22] =	ssyncset.done $0x0  }
0xa1: {  	[sflag:s22] =	ssyncadd.s32 s5;
	_ =	sdelay $0x1  }
0xa2: {  	s23 =	simm.s32 $0x1B8B  }
0xa3: {  	_ =	swait.ge [sflag:s23], $0x1  }
0xa4: {  	[sflag:s23] =	ssyncset.done $0x0  }
0xa5: {  	s25 =	simm.s32 $0x1B8E;
	s24 =	sld [smem:$0x3FFE];
	[sflag:s23] =	ssyncadd.s32 $0xFFFFFFFF  }
0xa6: {  	s26 =	simm.s32 $execute0_lowered;
	[smem:$0x3FD2] =	sst s25  }
0xa7: {  	s6 =	sshll.u32 s26, $0x1;
	_ =	strace $0x80000046;
	[dreg:$0x1] =	wrdreg $0xFFFFFFFF  }
0xa8: {  	s28 =	simm.s32 $_size_execute0_lowered;
	s4 =	sadd.s32 s4, s6;
	[dreg:$0x0] =	wrdreg $0x0  }
0xa9: {  	s6 =	sshll.u32 s28, $0x1;
	[dreg:$0x2] =	wrdreg s4  }
0xaa: {  	[dreg:$0x3] =	wrdreg s6  }
0xab: {  	[dreg:$0x4] =	wrdreg $0xC0  }
0xac: {  	_ =	task [dreg:s8], $0x5FFFF  }
0xad: {  	[dreg:$0x1] =	wrdreg $0xFFFFFFFF  }
0xae: {  	[dreg:$0x0] =	wrdreg $0x60  }
0xaf: {  	[dreg:$0x2] =	wrdreg s24  }
0xb0: {  	[dreg:$0x3] =	wrdreg s2  }
0xb1: {  	[dreg:$0x4] =	wrdreg s18  }
0xb2: {  	[dreg:$0x5] =	wrdreg $0x9  }
0xb3: {  	_ =	task.clear_ibuf [dreg:s8], $0x6FFFF;
	_ =	strace $0x90000046  }
0xb4: {  	s29 =	simm.s32 $0x9;
	_ =	strace $0x80000048  }
0xb5: {  	_ =	swait.ge [sflag:s29], $0x1  }
0xb6: {  	[sflag:s29] =	ssyncadd.s32 $0xFFFFFFFF  }
0xb7: {  	_ =	strace $0x90000048  }
0xb8: {  	_ =	sfence  }
0xb9: {  	s30 =	sld [smem:$0x0];
	_ =	sdelay $0x2  }
0xba: {  	s31 =	sshll.u32 s1, $0xD;
	s1 =	sshrl.u32 s1, $0x2  }
0xbb: {  	s3 =	sand.u32 $0x4000, s31;
	s1 =	sadd.s32 s1, s30  }
0xbc: {  	s0 =	sor.u32 s3, s0;
	s1 =	sshll.u32 s1, $0x11  }
0xbd: {  	s0 =	sor.u32 s1, s0  }
0xbe: {  	s0 =	sadd.s32 $0x8F2B, s0  }
0xbf: {  	[sflag:s0] =	ssyncadd.remote.s32 $0x1  }
0xc0: {  	_ =	sfence.sel $0xFFFF  }
0xc1: {  	[dreg:$0x0] =	wrdreg $0xFFFFFFFF;
	(pc) =	sbr.abs _section_cstart, $3  }
0xc2: {  	[dreg:$0x1] =	wrdreg $0xFFFFFFFF  }
0xc3: {  	_ =	task.clear_ibuf [dreg:s8], $0x2FFFF;
	_ =	strace $0x9FFFFFFF  }
0xc4: {  	(tm) =	ssettm $0x7FFFFFFF  }
0xc5: {  	_ =	shalt  }
tec
execute0_lowered:
.L_overlay_start_1:
0x0: {  	(tag) =	ssettag $0x1  }
0x1: {  	s5 =	rddreg [dreg:$0x0]  }
0x2: {  	s2 =	rddreg [dreg:$0x1];
	s1 =	srdreg.scid  }
0x3: {  	s0 =	stileid.u32;
	s7 =	rddreg [dreg:$0x2]  }
0x4: {  	s3 =	simm.s32 $0x0;
	s11 =	simm.s32 $0x8B00;
	s12 =	simm.s32 $0x64  }
0x5: {  	s13 =	simm.s32 $0x6800;
	s14 =	simm.s32 $0x7480;
	s15 =	simm.s32 $0x1  }
0x6: {  	s16 =	simm.s32 $0x8100;
	s4 =	sand.u32 $0x1, s1;
	s1 =	rddreg [dreg:$0x3]  }
0x7: {  	s17 =	simm.s32 $0x0;
	s6 =	sshll.u32 s0, $0x1;
	[smem:$0x7FF] =	sst s3  }
0x8: {  	s6 =	sor.u32 s4, s6;
	_ =	strace $0x80000047;
	s9 =	ssub.s32 $0x2, s4  }
0x9: {  	s8 =	smul.u32 $0xD00, s6;
	s10 =	sshrl.u32 s9, $0x1;
	s31 =	sshll.u32 s6, $0x8  }
0xa: {  	s4 =	sadd.s32 $0xF42C00, s5;
	s9 =	ssub.s32 s9, s10;
	s7 =	sadd.s32 s7, s31  }
0xb: {  	s10 =	simm.s32 $0x8900;
	s8 =	sadd.s32 s8, s5;
	s5 =	sadd.s32 $0x1A800, s5  }
0xc: {  	s6 =	sadd.s32 $0x800, s8;
	s8 =	smax.u32 s9, $0x1;
	s9 =	simm.s32 $0x2  }
.LBB2_1:
0xd: {  	[tilespmem:s3], [sflag:$0x2] =	stream.linear.gather [hbm4b:s6+s3], $0x6800, $0x38;
	[tilespmem:$0x8B10] =	vst v63  }
0xe: {  	_ =	swait.ge [sflag:s9], $0x6800  }
0xf: {  	[sflag:s9] =	ssyncset.done $0x0  }
0x10: {  	[sflag:s9] =	ssyncadd.s32 $0xFFFF9800  }
0x11: {  	[tilespmem:s10], [sflag:$0x2] =	stream.linear.gather [hbm4b:s5+s3], $0x200, $0x38;
	[tilespmem:$0x8B10] =	vst v63  }
0x12: {  	_ =	swait.ge [sflag:s9], $0x200  }
0x13: {  	[sflag:s9] =	ssyncset.done $0x0  }
0x14: {  	[sflag:s9] =	ssyncadd.s32 $0xFFFFFE00  }
0x15: {  	[tilespmem:s11], [sflag:$0x2] =	stream.linear.gather [hbm4b:s2+s3], $0x10, $0x38;
	[tilespmem:$0x8B10] =	vst v63  }
0x16: {  	_ =	swait.ge [sflag:s9], $0x10  }
0x17: {  	[sflag:s9] =	ssyncset.done $0x0  }
0x18: {  	s18 =	simm.s32 $0x0;
	[sflag:s9] =	ssyncadd.s32 $0xFFFFFFF0  }
.LBB2_2:
0x19: {  	s19 =	smul.u32 $0x340, s18;
	_ =	sdelay $0x1  }
0x1a: {  	s19 =	sshra.s32 s19, $0x2  }
0x1b: {  	[tilespmem:s13], [sflag:$0x1] =	stream.indirect.gather [hbm4b:s4+s12], $0x20, s19, s12, $0xb8;
	[tilespmem:$0x8B10] =	vst v63  }
0x1c: {  	s19 =	sadd.s32 $0x68, s19  }
0x1d: {  	[tilespmem:s14], [sflag:$0x1] =	stream.indirect.gather [hbm4b:s4+s12], $0x20, s19, s12, $0xb8;
	[tilespmem:$0x8B10] =	vst v63  }
0x1e: {  	_ =	swait.ge [sflag:s15], $0xC80  }
0x1f: {  	[sflag:s15] =	ssyncset.done $0x0  }
0x20: {  	[sflag:s15] =	ssyncadd.s32 $0xFFFFF380  }
0x21: {  	_ =	swait.ge [sflag:s15], $0xC80  }
0x22: {  	[sflag:s15] =	ssyncset.done $0x0  }
0x23: {  	[sflag:s15] =	ssyncadd.s32 $0xFFFFF380  }
0x24: {  	v15 =	vld [tilespmem:$0x6800]  }
0x25: {  	s19 =	simm.s32 $0xA0;
	v14 =	vld [tilespmem:$0x6810]  }
0x26: {  	v0 =	vld [tilespmem:s19+$0x7500]  }
0x27: {  	v2 =	vld [tilespmem:s19+$0x6880]  }
0x28: {  	v1 =	vld [tilespmem:s19+$0x74E0]  }
0x29: {  	v3 =	vld [tilespmem:s19+$0x6860]  }
0x2a: {  	v4 =	vld [tilespmem:s19+$0x74C0]  }
0x2b: {  	v5 =	vld [tilespmem:s19+$0x6840]  }
0x2c: {  	v6 =	vld [tilespmem:s19+$0x74A0]  }
0x2d: {  	v7 =	vld [tilespmem:s19+$0x6820]  }
0x2e: {  	v8 =	vld [tilespmem:s19+$0x7480]  }
0x2f: {  	v9 =	vld [tilespmem:s19+$0x6800]  }
0x30: {  	v10 =	vld [tilespmem:s19+$0x7460]  }
0x31: {  	v11 =	vld [tilespmem:s19+$0x67E0]  }
0x32: {  	v12 =	vld [tilespmem:s19+$0x7440]  }
0x33: {  	v13 =	vld [tilespmem:s19+$0x67C0]  }
0x34: {  	v16 =	vld [tilespmem:s19+$0x7420]  }
0x35: {  	v17 =	vld [tilespmem:s19+$0x67A0]  }
0x36: {  	v18 =	vld [tilespmem:s19+$0x7400]  }
0x37: {  	v19 =	vld [tilespmem:s19+$0x6780]  }
0x38: {  	v20 =	vld [tilespmem:s19+$0x73E0]  }
0x39: {  	s20 =	simm.s32 $0x780;
	v21 =	vld [tilespmem:s19+$0x6760]  }
.LBB2_3:
0x3a: {  	p0 =	sne.s32 s20, $0x2F80;
	v22 =	vld [tilespmem:s19+$0x6770]  }
0x3b: {  	v23 =	vld [tilespmem:s19+$0x73F0]  }
0x3c: {  	v24 =	vld [tilespmem:s19+$0x6790]  }
0x3d: {  	v25 =	vld [tilespmem:s19+$0x7410]  }
0x3e: {  	v26 =	vld [tilespmem:s19+$0x67B0]  }
0x3f: {  	v15 =	vmax.f32 v15, v21;
	v14 =	vmax.f32 v14, v22;
	v21 =	vld [tilespmem:s19+$0x7430]  }
0x40: {  	v15 =	vmax.f32 v15, v20;
	v14 =	vmax.f32 v14, v23;
	v20 =	vld [tilespmem:s19+$0x67D0]  }
0x41: {  	v15 =	vmax.f32 v15, v19;
	v14 =	vmax.f32 v14, v24;
	v19 =	vld [tilespmem:s19+$0x7450]  }
0x42: {  	v15 =	vmax.f32 v15, v18;
	v14 =	vmax.f32 v14, v25;
	v18 =	vld [tilespmem:s19+$0x67F0]  }
0x43: {  	v15 =	vmax.f32 v15, v17;
	v14 =	vmax.f32 v14, v26;
	v17 =	vld [tilespmem:s19+$0x7470]  }
0x44: {  	v15 =	vmax.f32 v15, v16;
	v14 =	vmax.f32 v14, v21;
	v16 =	vld [tilespmem:s19+$0x6810]  }
0x45: {  	v13 =	vmax.f32 v15, v13;
	v14 =	vmax.f32 v14, v20;
	v15 =	vld [tilespmem:s19+$0x7490]  }
0x46: {  	v12 =	vmax.f32 v13, v12;
	v13 =	vmax.f32 v14, v19;
	v14 =	vld [tilespmem:s19+$0x6830]  }
0x47: {  	v11 =	vmax.f32 v12, v11;
	v12 =	vmax.f32 v13, v18;
	v13 =	vld [tilespmem:s19+$0x74B0]  }
0x48: {  	v10 =	vmax.f32 v11, v10;
	v11 =	vmax.f32 v12, v17;
	v12 =	vld [tilespmem:s19+$0x6850]  }
0x49: {  	v9 =	vmax.f32 v10, v9;
	v10 =	vmax.f32 v11, v16;
	v11 =	vld [tilespmem:s19+$0x74D0]  }
0x4a: {  	v8 =	vmax.f32 v9, v8;
	v9 =	vmax.f32 v10, v15;
	v10 =	vld [tilespmem:s19+$0x6870]  }
0x4b: {  	v7 =	vmax.f32 v8, v7;
	v8 =	vmax.f32 v9, v14;
	v9 =	vld [tilespmem:s19+$0x74F0]  }
0x4c: {  	v6 =	vmax.f32 v7, v6;
	v7 =	vmax.f32 v8, v13;
	v8 =	vld [tilespmem:s19+$0x6890]  }
0x4d: {  	v5 =	vmax.f32 v6, v5;
	v6 =	vmax.f32 v7, v12;
	v7 =	vld [tilespmem:s19+$0x7510];
	s19 =	sshra.s32 s20, $0x2  }
0x4e: {  	v4 =	vmax.f32 v5, v4;
	v12 =	vld [tilespmem:s19+$0x7500];
	v5 =	vmax.f32 v6, v11  }
0x4f: {  	v3 =	vmax.f32 v4, v3;
	v11 =	vld [tilespmem:s19+$0x6880];
	v4 =	vmax.f32 v5, v10  }
0x50: {  	v5 =	vmax.f32 v3, v1;
	v1 =	vld [tilespmem:s19+$0x74E0];
	v4 =	vmax.f32 v4, v9  }
0x51: {  	v2 =	vmax.f32 v5, v2;
	v3 =	vld [tilespmem:s19+$0x6860];
	v5 =	vmax.f32 v4, v8  }
0x52: {  	v15 =	vmax.f32 v2, v0;
	v4 =	vld [tilespmem:s19+$0x74C0];
	v14 =	vmax.f32 v5, v7  }
0x53: {  	v5 =	vld [tilespmem:s19+$0x6840];
	v0 =	vmov v12  }
0x54: {  	v6 =	vld [tilespmem:s19+$0x74A0];
	v2 =	vmov v11  }
0x55: {  	v7 =	vld [tilespmem:s19+$0x6820]  }
0x56: {  	v8 =	vld [tilespmem:s19+$0x7480]  }
0x57: {  	v9 =	vld [tilespmem:s19+$0x6800]  }
0x58: {  	v10 =	vld [tilespmem:s19+$0x7460]  }
0x59: {  	v11 =	vld [tilespmem:s19+$0x67E0]  }
0x5a: {  	v12 =	vld [tilespmem:s19+$0x7440]  }
0x5b: {  	v13 =	vld [tilespmem:s19+$0x67C0]  }
0x5c: {  	v16 =	vld [tilespmem:s19+$0x7420]  }
.Ltmp0:
0x5d: {  	v17 =	vld [tilespmem:s19+$0x67A0];
	(pc) =	sbr.rel @p0 .LBB2_3-.Ltmp0, $4  }
0x5e: {  	v18 =	vld [tilespmem:s19+$0x7400]  }
0x5f: {  	v19 =	vld [tilespmem:s19+$0x6780]  }
0x60: {  	v20 =	vld [tilespmem:s19+$0x73E0]  }
0x61: {  	s20 =	sadd.s32 $0x500, s20;
	v21 =	vld [tilespmem:s19+$0x6760]  }
0x62: {  	_ = 	snop  }
0x63: {  	v22 =	vld [tilespmem:s19+$0x6770]  }
0x64: {  	v23 =	vld [tilespmem:s19+$0x73F0]  }
0x65: {  	v24 =	vld [tilespmem:s19+$0x6790]  }
0x66: {  	v25 =	vld [tilespmem:s19+$0x7410];
	v15 =	vmax.f32 v15, v21  }
0x67: {  	v49 =	vld [tilespmem:s19+$0x67B0];
	v15 =	vmax.f32 v15, v20  }
0x68: {  	v50 =	vld [tilespmem:s19+$0x7430];
	v14 =	vmax.f32 v14, v22;
	v15 =	vmax.f32 v15, v19  }
0x69: {  	v51 =	vld [tilespmem:s19+$0x67D0];
	v14 =	vmax.f32 v14, v23;
	v15 =	vmax.f32 v15, v18  }
0x6a: {  	v52 =	vld [tilespmem:s19+$0x7450];
	v14 =	vmax.f32 v14, v24;
	v15 =	vmax.f32 v15, v17  }
0x6b: {  	v53 =	vld [tilespmem:s19+$0x67F0];
	v14 =	vmax.f32 v14, v25;
	v15 =	vmax.f32 v15, v16  }
0x6c: {  	v54 =	vld [tilespmem:s19+$0x7470];
	v14 =	vmax.f32 v14, v49;
	v13 =	vmax.f32 v15, v13  }
0x6d: {  	v55 =	vld [tilespmem:s19+$0x6810];
	v14 =	vmax.f32 v14, v50;
	v12 =	vmax.f32 v13, v12  }
0x6e: {  	v57 =	vld [tilespmem:s19+$0x7490];
	v56 =	vmax.f32 v14, v51;
	v11 =	vmax.f32 v12, v11  }
0x6f: {  	v59 =	vld [tilespmem:s19+$0x6830];
	v58 =	vmax.f32 v56, v52;
	v10 =	vmax.f32 v11, v10  }
0x70: {  	v61 =	vld [tilespmem:s19+$0x74B0];
	v60 =	vmax.f32 v58, v53;
	v9 =	vmax.f32 v10, v9  }
0x71: {  	v63 =	vld [tilespmem:s19+$0x6850];
	v62 =	vmax.f32 v60, v54;
	v8 =	vmax.f32 v9, v8  }
0x72: {  	v16 =	vld [tilespmem:s19+$0x74D0];
	v15 =	vmax.f32 v62, v55;
	v7 =	vmax.f32 v8, v7  }
0x73: {  	v18 =	vld [tilespmem:s19+$0x6870];
	v17 =	vmax.f32 v15, v57;
	v6 =	vmax.f32 v7, v6  }
0x74: {  	v20 =	vld [tilespmem:s19+$0x74F0];
	v19 =	vmax.f32 v17, v59;
	v5 =	vmax.f32 v6, v5  }
0x75: {  	v22 =	vld [tilespmem:s19+$0x6890];
	v21 =	vmax.f32 v19, v61;
	v4 =	vmax.f32 v5, v4  }
0x76: {  	v24 =	vld [tilespmem:s19+$0x7510];
	v23 =	vmax.f32 v21, v63;
	v3 =	vmax.f32 v4, v3  }
0x77: {  	v26 =	vld [tilespmem:$0x8900];
	v25 =	vmax.f32 v23, v16;
	v1 =	vmax.f32 v3, v1  }
0x78: {  	v27 =	vld [tilespmem:$0x8B00];
	v4 =	vmax.f32 v25, v18;
	v1 =	vmax.f32 v1, v2  }
0x79: {  	v28 =	vld [tilespmem:$0x8A00];
	v4 =	vmax.f32 v4, v20;
	v0 =	vmax.f32 v1, v0  }
0x7a: {  	v4 =	vmax.f32 v4, v22;
	v29 =	vbroadcast v0, $0x0  }
0x7b: {  	v30 =	vld [tilespmem:$0x8910];
	v4 =	vmax.f32 v4, v24  }
0x7c: {  	v31 =	vbroadcast v4, $0x0;
	v3 =	vmul.f32 v26, v29  }
0x7d: {  	v32 =	vld [tilespmem:$0x8A10]  }
0x7e: {  	v33 =	vbroadcast v0, $0x1;
	v1 =	vmul.f32 v28, v31;
	v2 =	vadd.f32 v3, v27  }
0x7f: {  	v34 =	vld [tilespmem:$0x8920]  }
0x80: {  	v36 =	vbroadcast v4, $0x1;
	v35 =	vmul.f32 v30, v33;
	v1 =	vadd.f32 v1, v2  }
0x81: {  	v37 =	vld [tilespmem:$0x8A20]  }
0x82: {  	v39 =	vbroadcast v0, $0x2;
	v38 =	vmul.f32 v32, v36;
	v1 =	vadd.f32 v35, v1  }
0x83: {  	v40 =	vld [tilespmem:$0x8930]  }
0x84: {  	v42 =	vbroadcast v4, $0x2;
	v41 =	vmul.f32 v34, v39;
	v1 =	vadd.f32 v38, v1  }
0x85: {  	v43 =	vld [tilespmem:$0x8A30]  }
0x86: {  	v45 =	vbroadcast v0, $0x3;
	v44 =	vmul.f32 v37, v42;
	v1 =	vadd.f32 v41, v1  }
0x87: {  	v46 =	vld [tilespmem:$0x8940]  }
0x88: {  	v48 =	vbroadcast v4, $0x3;
	v47 =	vmul.f32 v40, v45;
	v1 =	vadd.f32 v44, v1  }
0x89: {  	v49 =	vld [tilespmem:$0x8A40]  }
0x8a: {  	v51 =	vbroadcast v0, $0x4;
	v50 =	vmul.f32 v43, v48;
	v1 =	vadd.f32 v47, v1  }
0x8b: {  	v52 =	vld [tilespmem:$0x8950]  }
0x8c: {  	v54 =	vbroadcast v4, $0x4;
	v53 =	vmul.f32 v46, v51;
	v1 =	vadd.f32 v50, v1  }
0x8d: {  	v55 =	vld [tilespmem:$0x8A50]  }
0x8e: {  	v57 =	vbroadcast v0, $0x5;
	v56 =	vmul.f32 v49, v54;
	v1 =	vadd.f32 v53, v1  }
0x8f: {  	v58 =	vld [tilespmem:$0x8960]  }
0x90: {  	v60 =	vbroadcast v4, $0x5;
	v59 =	vmul.f32 v52, v57;
	v1 =	vadd.f32 v56, v1  }
0x91: {  	v61 =	vld [tilespmem:$0x8A60]  }
0x92: {  	v63 =	vbroadcast v0, $0x6;
	v62 =	vmul.f32 v55, v60;
	v1 =	vadd.f32 v59, v1  }
0x93: {  	v9 =	vld [tilespmem:$0x8970]  }
0x94: {  	v11 =	vbroadcast v4, $0x6;
	v10 =	vmul.f32 v58, v63;
	v1 =	vadd.f32 v62, v1  }
0x95: {  	v12 =	vld [tilespmem:$0x8A70]  }
0x96: {  	v14 =	vbroadcast v0, $0x7;
	v13 =	vmul.f32 v61, v11;
	v1 =	vadd.f32 v10, v1  }
0x97: {  	v15 =	vld [tilespmem:$0x8980]  }
0x98: {  	v17 =	vbroadcast v4, $0x7;
	v16 =	vmul.f32 v9, v14;
	v1 =	vadd.f32 v13, v1  }
0x99: {  	v18 =	vld [tilespmem:$0x8A80]  }
0x9a: {  	v20 =	vbroadcast v0, $0x8;
	v19 =	vmul.f32 v12, v17;
	v1 =	vadd.f32 v16, v1  }
0x9b: {  	v21 =	vld [tilespmem:$0x8990]  }
0x9c: {  	v23 =	vbroadcast v4, $0x8;
	v22 =	vmul.f32 v15, v20;
	v1 =	vadd.f32 v19, v1  }
0x9d: {  	v24 =	vld [tilespmem:$0x8A90]  }
0x9e: {  	v26 =	vbroadcast v0, $0x9;
	v25 =	vmul.f32 v18, v23;
	v1 =	vadd.f32 v22, v1  }
0x9f: {  	v27 =	vld [tilespmem:$0x89A0]  }
0xa0: {  	v29 =	vbroadcast v4, $0x9;
	v28 =	vmul.f32 v21, v26;
	v1 =	vadd.f32 v25, v1  }
0xa1: {  	v30 =	vld [tilespmem:$0x8AA0]  }
0xa2: {  	v32 =	vbroadcast v0, $0xA;
	v31 =	vmul.f32 v24, v29;
	v1 =	vadd.f32 v28, v1  }
0xa3: {  	v33 =	vld [tilespmem:$0x89B0]  }
0xa4: {  	v35 =	vbroadcast v4, $0xA;
	v34 =	vmul.f32 v27, v32;
	v1 =	vadd.f32 v31, v1  }
0xa5: {  	v36 =	vld [tilespmem:$0x8AB0]  }
0xa6: {  	v37 =	vmul.f32 v30, v35;
	v38 =	vbroadcast v0, $0xB;
	v1 =	vadd.f32 v34, v1  }
0xa7: {  	v39 =	vld [tilespmem:$0x89C0]  }
0xa8: {  	v40 =	vmul.f32 v33, v38;
	v41 =	vbroadcast v4, $0xB;
	v1 =	vadd.f32 v37, v1  }
0xa9: {  	v42 =	vld [tilespmem:$0x8AC0]  }
0xaa: {  	v43 =	vmul.f32 v36, v41;
	v44 =	vbroadcast v0, $0xC;
	v1 =	vadd.f32 v40, v1  }
0xab: {  	v45 =	vld [tilespmem:$0x89D0]  }
0xac: {  	v46 =	vmul.f32 v39, v44;
	v47 =	vbroadcast v4, $0xC;
	v1 =	vadd.f32 v43, v1  }
0xad: {  	v48 =	vld [tilespmem:$0x8AD0]  }
0xae: {  	v49 =	vmul.f32 v42, v47;
	v50 =	vbroadcast v0, $0xD;
	v1 =	vadd.f32 v46, v1  }
0xaf: {  	v51 =	vld [tilespmem:$0x89E0]  }
0xb0: {  	v52 =	vmul.f32 v45, v50;
	v53 =	vbroadcast v4, $0xD;
	v1 =	vadd.f32 v49, v1  }
0xb1: {  	v54 =	vld [tilespmem:$0x8AE0]  }
0xb2: {  	v55 =	vmul.f32 v48, v53;
	v56 =	vbroadcast v0, $0xE;
	v1 =	vadd.f32 v52, v1  }
0xb3: {  	v57 =	vld [tilespmem:$0x89F0]  }
0xb4: {  	v58 =	vmul.f32 v51, v56;
	v59 =	vbroadcast v4, $0xE;
	v1 =	vadd.f32 v55, v1  }
0xb5: {  	v60 =	vld [tilespmem:$0x8AF0]  }
0xb6: {  	v0 =	vbroadcast v0, $0xF;
	v61 =	vmul.f32 v54, v59;
	v1 =	vadd.f32 v58, v1;
	_ =	sdelay $0x1  }
0xb7: {  	s31 =	sshll.u32 s18, $0x4;
	s18 =	sadd.s32 $0x1, s18;
	v0 =	vmul.f32 v57, v0;
	v62 =	vbroadcast v4, $0xF;
	v1 =	vadd.f32 v61, v1  }
0xb8: {  	p0 =	sne.s32 s18, $0x80  }
.Ltmp1:
0xb9: {  	v63 =	vmul.f32 v60, v62;
	v0 =	vadd.f32 v0, v1;
	(pc) =	sbr.rel @p0 .LBB2_2-.Ltmp1, $4  }
0xba: {  	_ = 	snop  }
0xbb: {  	v0 =	vadd.f32 v63, v0  }
0xbc: {  	s19 =	sand.u32 $0x3FFFFFF0, s31  }
0xbd: {  	[tilespmem:s19+$0x8100] =	vst v0  }
0xbe: {  	s17 =	sadd.s32 $0x1, s17  }
0xbf: {  	p0 =	sne.s32 s17, s8  }
.Ltmp2:
0xc0: {  	_ = 	snop;
	(pc) =	sbr.rel @p0 .LBB2_1-.Ltmp2, $4  }
0xc1: {  	[hbm4b:s7+s3] =	stream.linear.scatter [tilespmem:s16], [sflag:$0x2], $0x800, $0x38;
	[tilespmem:$0x8B10] =	vst v63  }
0xc2: {  	_ =	swait.ge [sflag:s9], $0x800  }
0xc3: {  	[sflag:s9] =	ssyncset.done $0x0  }
0xc4: {  	[sflag:s9] =	ssyncadd.s32 $0xFFFFF800  }
0xc5: {  	_ =	sfence.sel $0x180000  }
0xc6: {  	[bflag:$0x0] =	sbarrier.arrive $0xFFFF  }
0xc7: {  	p0 =	sne.s32 s0, $0x0;
	_ =	strace $0x90000047  }
0xc8: {  	s0 =	sadd.s32 @!p0 $0x100000, s1;
	[bflag:$0x2] =	sbarrier.arrive $0xFFFF  }
0xc9: {  	[sflag:s0] =	ssyncadd.tile.s32 @!p0 $0x1;
	_ =	shalt  }
.Lfunc_end2:
_tile_overlayer_lowered:
.L_overlay_start_2:
0xca: {  	(tag) =	ssettag $0x2  }
0xcb: {  	s0 =	rddreg [dreg:$0x0];
	s2 =	stileid.u32  }
0xcc: {  	s1 =	rddreg [dreg:$0x1];
	p0 =	sne.s32 s2, $0x0  }
0xcd: {  	s3 =	rddreg [dreg:$0x2];
	[bflag:$0x3] =	sbarrier.arrive $0xFFFF;
	s2 =	simm.s32 @!p0 $0x1C02  }
0xce: {  	[timem:s3], [sflag:s2] =	dma.local @!p0 [hbm:s0], s1  }
0xcf: {  	s0 =	simm.s32 @!p0 $0x2  }
0xd0: {  	_ =	swait.ge @!p0 [sflag:s0], s1  }
0xd1: {  	s1 =	ssub.s32 @!p0 $0x0, s1;
	[sflag:s0] =	ssyncset.done @!p0 $0x0  }
0xd2: {  	[sflag:s0] =	ssyncadd.s32 @!p0 s1  }
0xd3: {  	[bflag:$0x3] =	sbarrier.arrive $0xFFFF  }
0xd4: {  	_ =	shalt  }

</sc_bundles>
